<compile_context>
chip_gen: v7x
topology: tpu7x:2x2x1
jax: 0.10.2.dev20260603
libtpu: 0.0.44.dev20260713+nightly
codegen_flags: <defaults>
</compile_context>

<pallas_src>
import jax
import jax.numpy as jnp
from jax.experimental import pallas as pl
from jax.experimental.pallas import tpu as pltpu
from jax.experimental.pallas import tpu_sc as plsc

_TAGSET = 48
_T = 50
_START = 48
_STOP = 49
_B = 16
_L = 2048
_CHUNK = 256
_RENORM = 4


def _forward_body(sl_ref, slr_ref, transT_ref, trans_ref, featsF_ref,
                  featsR_ref, tagsF_ref, tagsB_ref, out_ref, out2_ref,
                  aF_ref, cF_ref, aB_ref, cB_ref, rF_ref, rB_ref):
    pid = pl.program_id(0)
    trans = trans_ref[...]
    transT = transT_ref[...]
    mrow = jnp.max(transT, axis=0, keepdims=True)
    eT = jnp.exp(transT - mrow)
    mcolB = jnp.max(trans, axis=0, keepdims=True)
    EB = jnp.exp(trans - mcolB)
    emcB = jnp.exp(mcolB)

    @pl.when(pid == 0)
    def _init():
        lane = jax.lax.broadcasted_iota(jnp.int32, (_B, _T), 1)
        aF_ref[...] = jnp.where(lane == _START, 1.0, 0.0)
        cF_ref[...] = jnp.zeros((_B, 1), jnp.float32)
        srow = trans[_STOP:_STOP + 1, :]
        m0 = jnp.max(srow, axis=1, keepdims=True)
        aB_ref[...] = jnp.broadcast_to(jnp.exp(srow - m0), (_B, _T))
        cB_ref[...] = jnp.broadcast_to(m0, (_B, 1))
        rF_ref[...] = jnp.ones((_B, 1), jnp.float32)
        rB_ref[...] = jnp.ones((_B, 1), jnp.float32)
        out2_ref[...] = jnp.zeros((1, 1), jnp.float32)

    sl = sl_ref[...]

    def _emit_part(f, tg, base_t):
        tag3 = tg[:, :, None]
        lane3 = jax.lax.broadcasted_iota(jnp.int32, (_CHUNK, _B, _T), 2)
        t3 = jax.lax.broadcasted_iota(jnp.int32, (_CHUNK, _B, 1), 0) + base_t
        keep = (lane3 == tag3) & (t3 < slr_ref[...][:, :, None])
        return jnp.sum(jnp.where(keep, f, 0.0))

    out2_ref[...] = (out2_ref[...]
                     + _emit_part(featsF_ref[...], tagsF_ref[...],
                                  pid * _CHUNK)
                     + _emit_part(featsR_ref[...], tagsB_ref[...],
                                  _L - (pid + 1) * _CHUNK))

    def group(g, st):
        aF, cF, aB, cB, rF, rB = st
        for j in range(_RENORM):
            i = g * _RENORM + j
            tF = pid * _CHUNK + i
            tB = _L - 1 - tF
            egF = jnp.exp(featsF_ref[i] + mrow)
            egB = jnp.exp(featsR_ref[_CHUNK - 1 - i])
            sF = jax.lax.dot_general(aF, eT, (((1,), (0,)), ((), ())),
                                     preferred_element_type=jnp.float32)
            if j == 0:
                sF = sF * (egF * rF)
                aF = jnp.where(tF < sl, sF, aF * rF)
            else:
                sF = sF * egF
                aF = jnp.where(tF < sl, sF, aF)
            sB = jax.lax.dot_general(aB * egB, EB, (((1,), (0,)), ((), ())),
                                     preferred_element_type=jnp.float32)
            if j == 0:
                sB = sB * (emcB * rB)
                aB = jnp.where(tB < sl, sB, aB * rB)
            else:
                sB = sB * emcB
                aB = jnp.where(tB < sl, sB, aB)
        mF = jnp.max(aF, axis=1, keepdims=True)
        mB = jnp.max(aB, axis=1, keepdims=True)
        return (aF, cF + jnp.log(mF), aB, cB + jnp.log(mB),
                1.0 / mF, 1.0 / mB)

    aF, cF, aB, cB, rF, rB = jax.lax.fori_loop(
        0, _CHUNK // _RENORM, group,
        (aF_ref[...], cF_ref[...], aB_ref[...], cB_ref[...],
         rF_ref[...], rB_ref[...]))
    aF_ref[...] = aF
    cF_ref[...] = cF
    aB_ref[...] = aB
    cB_ref[...] = cB
    rF_ref[...] = rF
    rB_ref[...] = rB

    @pl.when(pid == pl.num_programs(0) - 1)
    def _final():
        d = jnp.sum((aF * rF) * (aB * rB), axis=1, keepdims=True)
        out_ref[...] = cF + cB + jnp.log(d)


_HALF = _L // 2


def _gold_sc_body(sl_hbm, trans_hbm, tags_hbm, tagsp_hbm, out_hbm,
                  sl_v, trans_v, tags_v, tagsp_v, acc_v):
    c = jax.lax.axis_index("c")
    s = jax.lax.axis_index("s")
    wid = s * 2 + c
    b = wid // 2
    h = wid % 2
    t0 = h * _HALF
    pltpu.sync_copy(sl_hbm, sl_v)
    pltpu.sync_copy(trans_hbm, trans_v)
    pltpu.sync_copy(tags_hbm.at[pl.ds(b * _L + t0, _HALF)], tags_v)
    pltpu.sync_copy(tagsp_hbm.at[pl.ds(b * _L + t0, _HALF)], tagsp_v)
    b_vec = jnp.zeros((16,), jnp.int32) + b
    slv = plsc.load_gather(sl_v, [b_vec])
    stop_vec = jnp.full((16,), _STOP, jnp.int32)

    def chunk(i, acc):
        tl = jax.lax.iota(jnp.int32, 16) + i * 16
        tn = tags_v[pl.ds(i * 16, 16)]
        tp = tagsp_v[pl.ds(i * 16, 16)]
        g = plsc.load_gather(trans_v, [tn * _T + tp])
        st = plsc.load_gather(trans_v, [stop_vec * _T + tn])
        tg = tl + t0
        val = jnp.where(tg < slv, g, 0.0)
        val = val + jnp.where(tg == slv - 1, st, 0.0)
        return acc + val

    acc = jax.lax.fori_loop(0, _HALF // 16, chunk,
                            jnp.zeros((16,), jnp.float32))
    acc_v[...] = acc
    pltpu.sync_copy(acc_v, out_hbm.at[wid])


def kernel(feats, tags, seq_lengths, transitions):
    transT = jnp.transpose(transitions, (1, 0))
    sl_col = seq_lengths.reshape(_B, 1)
    sl_row = seq_lengths.reshape(1, _B)
    featsT = jnp.transpose(feats, (1, 0, 2))
    tagsT = jnp.transpose(tags, (1, 0))
    tags_prev = jnp.concatenate(
        [jnp.full((_B, 1), _START, dtype=tags.dtype), tags[:, :-1]], axis=1)

    half = _L // 2
    n_blocks = half // _CHUNK
    nb_total = _L // _CHUNK
    fs, emit_sum = pl.pallas_call(
        _forward_body,
        grid=(n_blocks,),
        in_specs=[
            pl.BlockSpec((_B, 1), lambda i: (0, 0)),
            pl.BlockSpec((1, _B), lambda i: (0, 0)),
            pl.BlockSpec((_T, _T), lambda i: (0, 0)),
            pl.BlockSpec((_T, _T), lambda i: (0, 0)),
            pl.BlockSpec((_CHUNK, _B, _T), lambda i: (i, 0, 0)),
            pl.BlockSpec((_CHUNK, _B, _T), lambda i: (nb_total - 1 - i, 0, 0)),
            pl.BlockSpec((_CHUNK, _B), lambda i: (i, 0)),
            pl.BlockSpec((_CHUNK, _B), lambda i: (nb_total - 1 - i, 0)),
        ],
        out_specs=[pl.BlockSpec((_B, 1), lambda i: (0, 0)),
                   pl.BlockSpec((1, 1), lambda i: (0, 0))],
        out_shape=[jax.ShapeDtypeStruct((_B, 1), jnp.float32),
                   jax.ShapeDtypeStruct((1, 1), jnp.float32)],
        scratch_shapes=[pltpu.VMEM((_B, _T), jnp.float32),
                        pltpu.VMEM((_B, 1), jnp.float32),
                        pltpu.VMEM((_B, _T), jnp.float32),
                        pltpu.VMEM((_B, 1), jnp.float32),
                        pltpu.VMEM((_B, 1), jnp.float32),
                        pltpu.VMEM((_B, 1), jnp.float32)],
        compiler_params=pltpu.CompilerParams(
            dimension_semantics=("arbitrary",)),
    )(sl_col, sl_row, transT, transitions, featsT, featsT, tagsT, tagsT)

    gold_parts = pl.kernel(
        _gold_sc_body,
        out_type=jax.ShapeDtypeStruct((32, 16), jnp.float32),
        mesh=plsc.VectorSubcoreMesh(core_axis_name="c", subcore_axis_name="s"),
        compiler_params=pltpu.CompilerParams(needs_layout_passes=False),
        scratch_types=[pltpu.VMEM((_B,), jnp.int32),
                       pltpu.VMEM((_T * _T,), jnp.float32),
                       pltpu.VMEM((_HALF,), jnp.int32),
                       pltpu.VMEM((_HALF,), jnp.int32),
                       pltpu.VMEM((16,), jnp.float32)],
    )(seq_lengths, transitions.reshape(_T * _T),
      tags.reshape(_B * _L), tags_prev.reshape(_B * _L))

    return (jnp.sum(fs) - emit_sum[0, 0] - jnp.sum(gold_parts)) / _B

# --- scband reference (transcript-rebuilt; emitter-appended) ---
"""Pipeline reference for scband-crf-41231686041799 (READ-ONLY COPY).

The authoritative reference and input builder live on the scoring server;
editing this copy changes nothing except your own understanding.
"""

import jax, jax.numpy as jnp
import numpy as np

TAGSET = 48
T = TAGSET + 2  # 50, includes START/STOP
START = 48
STOP = 49
B = 16
L = 2048


def setup_inputs(seed: int = 0) -> dict:
    key = jax.random.key(seed)
    k1, k2, k3, k4 = jax.random.split(key, 4)
    feats = jax.random.normal(k1, (B, L, T), dtype=jnp.float32)
    tags = jax.random.randint(k2, (B, L), 0, TAGSET).astype(jnp.int32)
    seq_lengths = jnp.maximum(jax.random.randint(k3, (B,), 0, L), 1).astype(jnp.int32)
    transitions = jax.random.normal(k4, (T, T), dtype=jnp.float32)
    transitions = transitions.at[START, :].set(-10000.0).at[:, STOP].set(-10000.0)
    return {"feats": feats, "tags": tags, "seq_lengths": seq_lengths, "transitions": transitions}


def reference(feats, tags, seq_lengths, transitions):
    # Faithful, batched translation of CRF.neg_log_likelihood:
    #   forward algorithm (log-sum-exp recursion) + gold path score, averaged.
    B_, L_, T_ = feats.shape
    ts = jnp.arange(L_)

    # ---- forward algorithm ----
    init = jnp.full((B_, T_), -10000.0, dtype=feats.dtype).at[:, START].set(0.0)

    def step(fv, inputs):
        feat, t = inputs  # feat: [B, T]
        # next_tag_var[b, next, prev] = fv[b, prev] + trans[next, prev] + emit[b, next]
        scores = fv[:, None, :] + transitions[None, :, :] + feat[:, :, None]
        new_fv = jax.scipy.special.logsumexp(scores, axis=2)
        mask = (t < seq_lengths)[:, None]
        return jnp.where(mask, new_fv, fv), None

    fv, _ = jax.lax.scan(step, init, (jnp.swapaxes(feats, 0, 1), ts))
    terminal = fv + transitions[STOP][None, :]
    forward_score = jax.scipy.special.logsumexp(terminal, axis=1)  # [B]

    # ---- gold path score ----
    start_col = jnp.full((B_, 1), START, dtype=tags.dtype)
    tags_ext = jnp.concatenate([start_col, tags], axis=1)  # [B, L+1]
    emit = jnp.take_along_axis(feats, tags[:, :, None], axis=2)[:, :, 0]  # [B, L]
    trans_g = transitions[tags_ext[:, 1:], tags_ext[:, :-1]]  # [B, L]
    mask = (ts[None, :] < seq_lengths[:, None]).astype(feats.dtype)
    gold = jnp.sum((emit + trans_g) * mask, axis=1)
    last_tag = jnp.take_along_axis(tags, (seq_lengths - 1)[:, None], axis=1)[:, 0]
    gold = gold + transitions[STOP, last_tag]

    return jnp.sum(forward_score - gold) / B_

if __name__ == "__main__":
    import jax
    _d = setup_inputs()
    print(jax.jit(kernel)(*tuple(_d.values())))

</pallas_src>

<mosaic_0001>
#map = affine_map<(d0, d1) -> (0)>
#map1 = affine_map<(d0, d1) -> (0, 0)>
module attributes {stable_mosaic.version = 14 : i64} {
  func.func @_gold_sc_body(%arg0: i32, %arg1: i32, %arg2: memref<16xi32, #tpu.memory_space<hbm>>, %arg3: memref<2500xf32, #tpu.memory_space<hbm>>, %arg4: memref<32768xi32, #tpu.memory_space<hbm>>, %arg5: memref<32768xi32, #tpu.memory_space<hbm>>, %arg6: memref<32x16xf32, #tpu.memory_space<hbm>>, %arg7: memref<16xi32, #tpu.memory_space<vmem>>, %arg8: memref<2500xf32, #tpu.memory_space<vmem>>, %arg9: memref<1024xi32, #tpu.memory_space<vmem>>, %arg10: memref<1024xi32, #tpu.memory_space<vmem>>, %arg11: memref<16xf32, #tpu.memory_space<vmem>>) attributes {dimension_semantics = [#tpu.dimension_semantics<core_parallel>, #tpu.dimension_semantics<subcore_parallel>], iteration_bounds = array<i64: 2, 16>, scalar_prefetch = 0 : i64, scratch_operands = 5 : i64, tpu.core_type = #tpu.core_type<sc_vector_subcore>, window_params = [{transform_indices = #map}, {transform_indices = #map}, {transform_indices = #map}, {transform_indices = #map}, {transform_indices = #map1}]} {
    %mul3A = arith.constant 2 : i32
    %mul3A_0 = arith.muli %arg1, %mul3A : i32
    %add3A = arith.addi %mul3A_0, %arg0 : i32
    %jit3A = arith.constant 2 : i32
    %div3A = arith.divsi %add3A, %jit3A : i32
    %sign3A = arith.constant 0 : i32
    %sign3A_1 = arith.cmpi sgt, %add3A, %sign3A : i32
    %sign3A_2 = arith.extui %sign3A_1 : i1 to i32
    %sign3A_3 = arith.constant 0 : i32
    %sign3A_4 = arith.cmpi slt, %add3A, %sign3A_3 : i32
    %sign3A_5 = arith.extui %sign3A_4 : i1 to i32
    %sign3A_6 = arith.subi %sign3A_2, %sign3A_5 : i32
    %sign3A_7 = arith.constant 0 : i32
    %sign3A_8 = arith.cmpi sgt, %jit3A, %sign3A_7 : i32
    %sign3A_9 = arith.extui %sign3A_8 : i1 to i32
    %sign3A_10 = arith.constant 0 : i32
    %sign3A_11 = arith.cmpi slt, %jit3A, %sign3A_10 : i32
    %sign3A_12 = arith.extui %sign3A_11 : i1 to i32
    %sign3A_13 = arith.subi %sign3A_9, %sign3A_12 : i32
    %ne3A = arith.cmpi ne, %sign3A_6, %sign3A_13 : i32
    %rem3A = arith.remsi %add3A, %jit3A : i32
    %ne3A_14 = arith.constant 0 : i32
    %ne3A_15 = arith.cmpi ne, %rem3A, %ne3A_14 : i32
    %and3A = arith.andi %ne3A, %ne3A_15 : i1
    %sub3A = arith.constant 1 : i32
    %sub3A_16 = arith.subi %div3A, %sub3A : i32
    %select_n3A = arith.select %and3A, %sub3A_16, %div3A : i32
    %jit3A_17 = arith.constant 2 : i32
    %eq3A = arith.constant 0 : i32
    %eq3A_18 = arith.cmpi eq, %jit3A_17, %eq3A : i32
    %jit3A_19 = arith.constant 1 : i32
    %select_n3A_20 = arith.select %eq3A_18, %jit3A_19, %jit3A_17 : i32
    %rem3A_21 = arith.remsi %add3A, %select_n3A_20 : i32
    %ne3A_22 = arith.constant 0 : i32
    %ne3A_23 = arith.cmpi ne, %rem3A_21, %ne3A_22 : i32
    %lt3A = arith.constant 0 : i32
    %lt3A_24 = arith.cmpi slt, %rem3A_21, %lt3A : i32
    %lt3A_25 = arith.constant 0 : i32
    %lt3A_26 = arith.cmpi slt, %select_n3A_20, %lt3A_25 : i32
    %ne3A_27 = arith.xori %lt3A_24, %lt3A_26 : i1
    %and3A_28 = arith.andi %ne3A_27, %ne3A_23 : i1
    %add3A_29 = arith.addi %rem3A_21, %select_n3A_20 : i32
    %select_n3A_30 = arith.select %and3A_28, %add3A_29, %rem3A_21 : i32
    %mul3A_31 = arith.constant 1024 : i32
    %mul3A_32 = arith.muli %select_n3A_30, %mul3A_31 : i32
    "tpu.region"() ({
      %run_scoped3A = tpu.sem_alloc : memref<!tpu.dma_semaphore, #tpu.memory_space<semaphore_mem>>
      tpu.enqueue_dma source(%arg2 : memref<16xi32, #tpu.memory_space<hbm>>) target(%arg7 : memref<16xi32, #tpu.memory_space<vmem>>) target_semaphore(%run_scoped3A : memref<!tpu.dma_semaphore, #tpu.memory_space<semaphore_mem>>)
      tpu.wait_dma2 semaphore(%run_scoped3A : memref<!tpu.dma_semaphore, #tpu.memory_space<semaphore_mem>>) src(%arg2 : memref<16xi32, #tpu.memory_space<hbm>>) dst(%arg7 : memref<16xi32, #tpu.memory_space<vmem>>)
      tpu.yield
    }) : () -> ()
    "tpu.region"() ({
      %run_scoped3A = tpu.sem_alloc : memref<!tpu.dma_semaphore, #tpu.memory_space<semaphore_mem>>
      tpu.enqueue_dma source(%arg3 : memref<2500xf32, #tpu.memory_space<hbm>>) target(%arg8 : memref<2500xf32, #tpu.memory_space<vmem>>) target_semaphore(%run_scoped3A : memref<!tpu.dma_semaphore, #tpu.memory_space<semaphore_mem>>)
      tpu.wait_dma2 semaphore(%run_scoped3A : memref<!tpu.dma_semaphore, #tpu.memory_space<semaphore_mem>>) src(%arg3 : memref<2500xf32, #tpu.memory_space<hbm>>) dst(%arg8 : memref<2500xf32, #tpu.memory_space<vmem>>)
      tpu.yield
    }) : () -> ()
    %mul3A_33 = arith.constant 2048 : i32
    %mul3A_34 = arith.muli %select_n3A, %mul3A_33 : i32
    %add3A_35 = arith.addi %mul3A_34, %mul3A_32 : i32
    "tpu.region"() ({
      %run_scoped3A = tpu.sem_alloc : memref<!tpu.dma_semaphore, #tpu.memory_space<semaphore_mem>>
      %dma_start3A = tpu.memref_slice %arg4[%add3A_35] : memref<32768xi32, #tpu.memory_space<hbm>> -> memref<1024xi32, #tpu.memory_space<hbm>>
      %dma_start3A_52 = tpu.memref_slice %arg4[%add3A_35] : memref<32768xi32, #tpu.memory_space<hbm>> -> memref<1024xi32, #tpu.memory_space<hbm>>
      tpu.enqueue_dma source(%dma_start3A_52 : memref<1024xi32, #tpu.memory_space<hbm>>) target(%arg9 : memref<1024xi32, #tpu.memory_space<vmem>>) target_semaphore(%run_scoped3A : memref<!tpu.dma_semaphore, #tpu.memory_space<semaphore_mem>>)
      %dma_wait3A = tpu.memref_slice %arg4[%add3A_35] : memref<32768xi32, #tpu.memory_space<hbm>> -> memref<1024xi32, #tpu.memory_space<hbm>>
      %dma_wait3A_53 = tpu.memref_slice %arg4[%add3A_35] : memref<32768xi32, #tpu.memory_space<hbm>> -> memref<1024xi32, #tpu.memory_space<hbm>>
      tpu.wait_dma2 semaphore(%run_scoped3A : memref<!tpu.dma_semaphore, #tpu.memory_space<semaphore_mem>>) src(%dma_wait3A_53 : memref<1024xi32, #tpu.memory_space<hbm>>) dst(%arg9 : memref<1024xi32, #tpu.memory_space<vmem>>)
      tpu.yield
    }) : () -> ()
    %mul3A_36 = arith.constant 2048 : i32
    %mul3A_37 = arith.muli %select_n3A, %mul3A_36 : i32
    %add3A_38 = arith.addi %mul3A_37, %mul3A_32 : i32
    "tpu.region"() ({
      %run_scoped3A = tpu.sem_alloc : memref<!tpu.dma_semaphore, #tpu.memory_space<semaphore_mem>>
      %dma_start3A = tpu.memref_slice %arg5[%add3A_38] : memref<32768xi32, #tpu.memory_space<hbm>> -> memref<1024xi32, #tpu.memory_space<hbm>>
      %dma_start3A_52 = tpu.memref_slice %arg5[%add3A_38] : memref<32768xi32, #tpu.memory_space<hbm>> -> memref<1024xi32, #tpu.memory_space<hbm>>
      tpu.enqueue_dma source(%dma_start3A_52 : memref<1024xi32, #tpu.memory_space<hbm>>) target(%arg10 : memref<1024xi32, #tpu.memory_space<vmem>>) target_semaphore(%run_scoped3A : memref<!tpu.dma_semaphore, #tpu.memory_space<semaphore_mem>>)
      %dma_wait3A = tpu.memref_slice %arg5[%add3A_38] : memref<32768xi32, #tpu.memory_space<hbm>> -> memref<1024xi32, #tpu.memory_space<hbm>>
      %dma_wait3A_53 = tpu.memref_slice %arg5[%add3A_38] : memref<32768xi32, #tpu.memory_space<hbm>> -> memref<1024xi32, #tpu.memory_space<hbm>>
      tpu.wait_dma2 semaphore(%run_scoped3A : memref<!tpu.dma_semaphore, #tpu.memory_space<semaphore_mem>>) src(%dma_wait3A_53 : memref<1024xi32, #tpu.memory_space<hbm>>) dst(%arg10 : memref<1024xi32, #tpu.memory_space<vmem>>)
      tpu.yield
    }) : () -> ()
    %broadcast_in_dim3A = arith.constant 0 : i32
    %broadcast_in_dim3A_39 = vector.broadcast %broadcast_in_dim3A : i32 to vector<16xi32>
    %add3A_40 = vector.broadcast %select_n3A : i32 to vector<16xi32>
    %add3A_41 = arith.addi %broadcast_in_dim3A_39, %add3A_40 : vector<16xi32>
    %gather3A = tpu.vector_load_idx %arg7[%add3A_41] : memref<16xi32, #tpu.memory_space<vmem>>[vector<16xi32>], vector<16xi32>,
    %broadcast_in_dim3A_42 = arith.constant 49 : i32
    %broadcast_in_dim3A_43 = vector.broadcast %broadcast_in_dim3A_42 : i32 to vector<16xi32>
    %broadcast_in_dim3A_44 = arith.constant 0.000000e+00 : f32
    %broadcast_in_dim3A_45 = vector.broadcast %broadcast_in_dim3A_44 : f32 to vector<16xf32>
    %scan3A = arith.constant 0 : i32
    %scan3A_46 = arith.constant 64 : i32
    %scan3A_47 = arith.addi %scan3A, %scan3A_46 : i32
    %scan3A_48 = arith.constant 1 : i32
    %scan3A_49 = scf.for %scan3A_52 = %scan3A to %scan3A_47 step %scan3A_48 iter_args(%scan3A_53 = %broadcast_in_dim3A_45) -> (vector<16xf32>)  : i32 {
      %iota3A = tpu.iota {dimensions = array<i32: 0>} : vector<16xi32>
      %mul3A_54 = arith.constant 16 : i32
      %mul3A_55 = arith.muli %scan3A_52, %mul3A_54 : i32
      %add3A_56 = vector.broadcast %mul3A_55 : i32 to vector<16xi32>
      %add3A_57 = arith.addi %iota3A, %add3A_56 : vector<16xi32>
      %mul3A_58 = arith.constant 16 : i32
      %mul3A_59 = arith.muli %scan3A_52, %mul3A_58 : i32
      %get3A = arith.index_cast %mul3A_59 : i32 to index
      %get3A_60 = tpu.vector_load %arg9[%get3A] {strides = array<i32>} : memref<1024xi32, #tpu.memory_space<vmem>>, vector<16xi32>,
      %mul3A_61 = arith.constant 16 : i32
      %mul3A_62 = arith.muli %scan3A_52, %mul3A_61 : i32
      %get3A_63 = arith.index_cast %mul3A_62 : i32 to index
      %get3A_64 = tpu.vector_load %arg10[%get3A_63] {strides = array<i32>} : memref<1024xi32, #tpu.memory_space<vmem>>, vector<16xi32>,
      %mul3A_65 = arith.constant 50 : i32
      %mul3A_66 = vector.broadcast %mul3A_65 : i32 to vector<16xi32>
      %mul3A_67 = arith.muli %get3A_60, %mul3A_66 : vector<16xi32>
      %add3A_68 = arith.addi %mul3A_67, %get3A_64 : vector<16xi32>
      %gather3A_69 = tpu.vector_load_idx %arg8[%add3A_68] : memref<2500xf32, #tpu.memory_space<vmem>>[vector<16xi32>], vector<16xf32>,
      %mul3A_70 = arith.constant 50 : i32
      %mul3A_71 = vector.broadcast %mul3A_70 : i32 to vector<16xi32>
      %mul3A_72 = arith.muli %broadcast_in_dim3A_43, %mul3A_71 : vector<16xi32>
      %add3A_73 = arith.addi %mul3A_72, %get3A_60 : vector<16xi32>
      %gather3A_74 = tpu.vector_load_idx %arg8[%add3A_73] : memref<2500xf32, #tpu.memory_space<vmem>>[vector<16xi32>], vector<16xf32>,
      %add3A_75 = vector.broadcast %mul3A_32 : i32 to vector<16xi32>
      %add3A_76 = arith.addi %add3A_57, %add3A_75 : vector<16xi32>
      %lt3A_77 = arith.cmpi slt, %add3A_76, %gather3A : vector<16xi32>
      %jit3A_78 = arith.constant 0.000000e+00 : f32
      %broadcast_in_dim3A_79 = vector.broadcast %jit3A_78 : f32 to vector<16xf32>
      %select_n3A_80 = arith.select %lt3A_77, %gather3A_69, %broadcast_in_dim3A_79 : vector<16xi1>, vector<16xf32>
      %sub3A_81 = arith.constant 1 : i32
      %sub3A_82 = vector.broadcast %sub3A_81 : i32 to vector<16xi32>
      %sub3A_83 = arith.subi %gather3A, %sub3A_82 : vector<16xi32>
      %eq3A_84 = arith.cmpi eq, %add3A_76, %sub3A_83 : vector<16xi32>
      %jit3A_85 = arith.constant 0.000000e+00 : f32
      %broadcast_in_dim3A_86 = vector.broadcast %jit3A_85 : f32 to vector<16xf32>
      %select_n3A_87 = arith.select %eq3A_84, %gather3A_74, %broadcast_in_dim3A_86 : vector<16xi1>, vector<16xf32>
      %add3A_88 = arith.addf %select_n3A_80, %select_n3A_87 : vector<16xf32>
      %add3A_89 = arith.addf %scan3A_53, %add3A_88 : vector<16xf32>
      scf.yield %add3A_89 : vector<16xf32>
    }
    %scan3A_50 = arith.constant 64 : i32
    %swap3A = arith.constant 0 : index
    %swap3A_51 = tpu.vector_load %arg11[%swap3A] {strides = array<i32>} : memref<16xf32, #tpu.memory_space<vmem>>, vector<16xf32>,
    tpu.vector_store %arg11[%swap3A], %scan3A_49 {strides = array<i32>} : memref<16xf32, #tpu.memory_space<vmem>>, vector<16xf32>,
    "tpu.region"() ({
      %run_scoped3A = tpu.sem_alloc : memref<!tpu.dma_semaphore, #tpu.memory_space<semaphore_mem>>
      %dma_start3A = arith.constant 0 : i32
      %dma_start3A_52 = tpu.memref_slice %arg6[%add3A, %dma_start3A] : memref<32x16xf32, #tpu.memory_space<hbm>> -> memref<1x16xf32, #tpu.memory_space<hbm>>
      %dma_start3A_53 = tpu.memref_squeeze %dma_start3A_52 : memref<1x16xf32, #tpu.memory_space<hbm>> -> memref<16xf32, #tpu.memory_space<hbm>>
      %dma_start3A_54 = arith.constant 0 : i32
      %dma_start3A_55 = tpu.memref_slice %arg6[%add3A, %dma_start3A_54] : memref<32x16xf32, #tpu.memory_space<hbm>> -> memref<1x16xf32, #tpu.memory_space<hbm>>
      %dma_start3A_56 = tpu.memref_squeeze %dma_start3A_55 : memref<1x16xf32, #tpu.memory_space<hbm>> -> memref<16xf32, #tpu.memory_space<hbm>>
      tpu.enqueue_dma source(%arg11 : memref<16xf32, #tpu.memory_space<vmem>>) target(%dma_start3A_56 : memref<16xf32, #tpu.memory_space<hbm>>) target_semaphore(%run_scoped3A : memref<!tpu.dma_semaphore, #tpu.memory_space<semaphore_mem>>)
      %dma_wait3A = arith.constant 0 : i32
      %dma_wait3A_57 = tpu.memref_slice %arg6[%add3A, %dma_wait3A] : memref<32x16xf32, #tpu.memory_space<hbm>> -> memref<1x16xf32, #tpu.memory_space<hbm>>
      %dma_wait3A_58 = tpu.memref_squeeze %dma_wait3A_57 : memref<1x16xf32, #tpu.memory_space<hbm>> -> memref<16xf32, #tpu.memory_space<hbm>>
      %dma_wait3A_59 = arith.constant 0 : i32
      %dma_wait3A_60 = tpu.memref_slice %arg6[%add3A, %dma_wait3A_59] : memref<32x16xf32, #tpu.memory_space<hbm>> -> memref<1x16xf32, #tpu.memory_space<hbm>>
      %dma_wait3A_61 = tpu.memref_squeeze %dma_wait3A_60 : memref<1x16xf32, #tpu.memory_space<hbm>> -> memref<16xf32, #tpu.memory_space<hbm>>
      tpu.wait_dma2 semaphore(%run_scoped3A : memref<!tpu.dma_semaphore, #tpu.memory_space<semaphore_mem>>) src(%arg11 : memref<16xf32, #tpu.memory_space<vmem>>) dst(%dma_wait3A_61 : memref<16xf32, #tpu.memory_space<hbm>>)
      tpu.yield
    }) : () -> ()
    return
  }
}

module attributes {stable_mosaic.version = 14 : i64} {
  func.func @_forward_body(%arg0: i32, %arg1: memref<16x1xi32, #tpu.memory_space<vmem>>, %arg2: memref<1x16xi32, #tpu.memory_space<vmem>>, %arg3: memref<50x50xf32, #tpu.memory_space<vmem>>, %arg4: memref<50x50xf32, #tpu.memory_space<vmem>>, %arg5: memref<256x16x50xf32, #tpu.memory_space<vmem>>, %arg6: memref<256x16x50xf32, #tpu.memory_space<vmem>>, %arg7: memref<256x16xi32, #tpu.memory_space<vmem>>, %arg8: memref<256x16xi32, #tpu.memory_space<vmem>>, %arg9: memref<16x1xf32, #tpu.memory_space<vmem>>, %arg10: memref<1x1xf32, #tpu.memory_space<vmem>>, %arg11: memref<16x50xf32, #tpu.memory_space<vmem>>, %arg12: memref<16x1xf32, #tpu.memory_space<vmem>>, %arg13: memref<16x50xf32, #tpu.memory_space<vmem>>, %arg14: memref<16x1xf32, #tpu.memory_space<vmem>>, %arg15: memref<16x1xf32, #tpu.memory_space<vmem>>, %arg16: memref<16x1xf32, #tpu.memory_space<vmem>>) attributes {dimension_semantics = [#tpu.dimension_semantics<arbitrary>], iteration_bounds = array<i64: 4>, scalar_prefetch = 0 : i64, scratch_operands = 6 : i64, tpu.core_type = #tpu.core_type<tc>, window_params = [{pipeline_mode = #tpu.pipeline_mode<synchronous>, transform_indices = @transform_0, window_bounds = array<i64: 16, 1>}, {pipeline_mode = #tpu.pipeline_mode<synchronous>, transform_indices = @transform_1, window_bounds = array<i64: 1, 16>}, {pipeline_mode = #tpu.pipeline_mode<synchronous>, transform_indices = @transform_2, window_bounds = array<i64: 50, 50>}, {pipeline_mode = #tpu.pipeline_mode<synchronous>, transform_indices = @transform_3, window_bounds = array<i64: 50, 50>}, {transform_indices = @transform_4, window_bounds = array<i64: 256, 16, 50>}, {transform_indices = @transform_5, window_bounds = array<i64: 256, 16, 50>}, {transform_indices = @transform_6, window_bounds = array<i64: 256, 16>}, {transform_indices = @transform_7, window_bounds = array<i64: 256, 16>}, {pipeline_mode = #tpu.pipeline_mode<synchronous>, transform_indices = @transform_8, window_bounds = array<i64: 16, 1>}, {pipeline_mode = #tpu.pipeline_mode<synchronous>, transform_indices = @transform_9, window_bounds = array<i64: 1, 1>}]} {
    %get3A = arith.constant 0 : index
    %get3A_0 = arith.constant 0 : index
    %get3A_1 = vector.load %arg4[%get3A, %get3A_0] : memref<50x50xf32, #tpu.memory_space<vmem>>, vector<50x50xf32>
    %get3A_2 = arith.constant 0 : index
    %get3A_3 = arith.constant 0 : index
    %get3A_4 = vector.load %arg3[%get3A_2, %get3A_3] : memref<50x50xf32, #tpu.memory_space<vmem>>, vector<50x50xf32>
    %reduce_max3A = arith.constant dense<0xFF800000> : vector<50xf32>
    %reduce_max3A_5 = vector.multi_reduction <maximumf>, %get3A_4, %reduce_max3A [0] : vector<50x50xf32> to vector<50xf32>
    %broadcast_in_dim3A = vector.shape_cast %reduce_max3A_5 : vector<50xf32> to vector<1x50xf32>
    %sub3A = vector.broadcast %broadcast_in_dim3A : vector<1x50xf32> to vector<50x50xf32>
    %sub3A_6 = arith.subf %get3A_4, %sub3A : vector<50x50xf32>
    %exp3A = math.exp %sub3A_6 : vector<50x50xf32>
    %reduce_max3A_7 = arith.constant dense<0xFF800000> : vector<50xf32>
    %reduce_max3A_8 = vector.multi_reduction <maximumf>, %get3A_1, %reduce_max3A_7 [0] : vector<50x50xf32> to vector<50xf32>
    %broadcast_in_dim3A_9 = vector.shape_cast %reduce_max3A_8 : vector<50xf32> to vector<1x50xf32>
    %sub3A_10 = vector.broadcast %broadcast_in_dim3A_9 : vector<1x50xf32> to vector<50x50xf32>
    %sub3A_11 = arith.subf %get3A_1, %sub3A_10 : vector<50x50xf32>
    %exp3A_12 = math.exp %sub3A_11 : vector<50x50xf32>
    %exp3A_13 = math.exp %broadcast_in_dim3A_9 : vector<1x50xf32>
    %eq3A = arith.constant 0 : i32
    %eq3A_14 = arith.cmpi eq, %arg0, %eq3A : i32
    %convert_element_type3A = arith.extui %eq3A_14 : i1 to i32
    %cond3A = arith.constant 0 : i32
    %cond3A_15 = arith.cmpi ne, %convert_element_type3A, %cond3A : i32
    scf.if %cond3A_15 {
      %iota3A_134 = tpu.iota {dimensions = array<i32: 1>} : vector<16x50xi32>
      %eq3A_135 = arith.constant 48 : i32
      %eq3A_136 = vector.broadcast %eq3A_135 : i32 to vector<16x50xi32>
      %eq3A_137 = arith.cmpi eq, %iota3A_134, %eq3A_136 : vector<16x50xi32>
      %jit3A_138 = arith.constant 1.000000e+00 : f32
      %jit3A_139 = arith.constant 0.000000e+00 : f32
      %broadcast_in_dim3A_140 = vector.broadcast %jit3A_138 : f32 to vector<16x50xf32>
      %broadcast_in_dim3A_141 = vector.broadcast %jit3A_139 : f32 to vector<16x50xf32>
      %select_n3A_142 = arith.select %eq3A_137, %broadcast_in_dim3A_140, %broadcast_in_dim3A_141 : vector<16x50xi1>, vector<16x50xf32>
      %swap3A_143 = arith.constant 0 : index
      %swap3A_144 = arith.constant 0 : index
      %swap3A_145 = vector.load %arg11[%swap3A_143, %swap3A_144] : memref<16x50xf32, #tpu.memory_space<vmem>>, vector<16x50xf32>
      tpu.vector_store %arg11[%swap3A_143, %swap3A_144], %select_n3A_142 {strides = array<i32>} : memref<16x50xf32, #tpu.memory_space<vmem>>, vector<16x50xf32>,
      %broadcast_in_dim3A_146 = arith.constant 0.000000e+00 : f32
      %broadcast_in_dim3A_147 = vector.broadcast %broadcast_in_dim3A_146 : f32 to vector<16x1xf32>
      %swap3A_148 = arith.constant 0 : index
      %swap3A_149 = arith.constant 0 : index
      %swap3A_150 = vector.load %arg12[%swap3A_148, %swap3A_149] : memref<16x1xf32, #tpu.memory_space<vmem>>, vector<16x1xf32>
      tpu.vector_store %arg12[%swap3A_148, %swap3A_149], %broadcast_in_dim3A_147 {strides = array<i32>} : memref<16x1xf32, #tpu.memory_space<vmem>>, vector<16x1xf32>,
      %slice3A = vector.extract_strided_slice %get3A_1 {offsets = [49, 0], sizes = [1, 50], strides = [1, 1]} : vector<50x50xf32> to vector<1x50xf32>
      %reduce_max3A_151 = arith.constant dense<0xFF800000> : vector<1xf32>
      %reduce_max3A_152 = vector.multi_reduction <maximumf>, %slice3A, %reduce_max3A_151 [1] : vector<1x50xf32> to vector<1xf32>
      %broadcast_in_dim3A_153 = vector.shape_cast %reduce_max3A_152 : vector<1xf32> to vector<1x1xf32>
      %sub3A_154 = vector.broadcast %broadcast_in_dim3A_153 : vector<1x1xf32> to vector<1x50xf32>
      %sub3A_155 = arith.subf %slice3A, %sub3A_154 : vector<1x50xf32>
      %exp3A_156 = math.exp %sub3A_155 : vector<1x50xf32>
      %broadcast_in_dim3A_157 = vector.shape_cast %exp3A_156 : vector<1x50xf32> to vector<1x50xf32>
      %broadcast_in_dim3A_158 = vector.broadcast %broadcast_in_dim3A_157 : vector<1x50xf32> to vector<16x50xf32>
      %swap3A_159 = arith.constant 0 : index
      %swap3A_160 = arith.constant 0 : index
      %swap3A_161 = vector.load %arg13[%swap3A_159, %swap3A_160] : memref<16x50xf32, #tpu.memory_space<vmem>>, vector<16x50xf32>
      tpu.vector_store %arg13[%swap3A_159, %swap3A_160], %broadcast_in_dim3A_158 {strides = array<i32>} : memref<16x50xf32, #tpu.memory_space<vmem>>, vector<16x50xf32>,
      %broadcast_in_dim3A_162 = vector.shape_cast %broadcast_in_dim3A_153 : vector<1x1xf32> to vector<1x1xf32>
      %broadcast_in_dim3A_163 = vector.broadcast %broadcast_in_dim3A_162 : vector<1x1xf32> to vector<16x1xf32>
      %swap3A_164 = arith.constant 0 : index
      %swap3A_165 = arith.constant 0 : index
      %swap3A_166 = vector.load %arg14[%swap3A_164, %swap3A_165] : memref<16x1xf32, #tpu.memory_space<vmem>>, vector<16x1xf32>
      tpu.vector_store %arg14[%swap3A_164, %swap3A_165], %broadcast_in_dim3A_163 {strides = array<i32>} : memref<16x1xf32, #tpu.memory_space<vmem>>, vector<16x1xf32>,
      %broadcast_in_dim3A_167 = arith.constant 1.000000e+00 : f32
      %broadcast_in_dim3A_168 = vector.broadcast %broadcast_in_dim3A_167 : f32 to vector<16x1xf32>
      %swap3A_169 = arith.constant 0 : index
      %swap3A_170 = arith.constant 0 : index
      %swap3A_171 = vector.load %arg15[%swap3A_169, %swap3A_170] : memref<16x1xf32, #tpu.memory_space<vmem>>, vector<16x1xf32>
      tpu.vector_store %arg15[%swap3A_169, %swap3A_170], %broadcast_in_dim3A_168 {strides = array<i32>} : memref<16x1xf32, #tpu.memory_space<vmem>>, vector<16x1xf32>,
      %broadcast_in_dim3A_172 = arith.constant 1.000000e+00 : f32
      %broadcast_in_dim3A_173 = vector.broadcast %broadcast_in_dim3A_172 : f32 to vector<16x1xf32>
      %swap3A_174 = arith.constant 0 : index
      %swap3A_175 = arith.constant 0 : index
      %swap3A_176 = vector.load %arg16[%swap3A_174, %swap3A_175] : memref<16x1xf32, #tpu.memory_space<vmem>>, vector<16x1xf32>
      tpu.vector_store %arg16[%swap3A_174, %swap3A_175], %broadcast_in_dim3A_173 {strides = array<i32>} : memref<16x1xf32, #tpu.memory_space<vmem>>, vector<16x1xf32>,
      %broadcast_in_dim3A_177 = arith.constant 0.000000e+00 : f32
      %broadcast_in_dim3A_178 = vector.broadcast %broadcast_in_dim3A_177 : f32 to vector<1x1xf32>
      %swap3A_179 = arith.constant 0 : index
      %swap3A_180 = arith.constant 0 : index
      %swap3A_181 = vector.load %arg10[%swap3A_179, %swap3A_180] : memref<1x1xf32, #tpu.memory_space<vmem>>, vector<1x1xf32>
      tpu.vector_store %arg10[%swap3A_179, %swap3A_180], %broadcast_in_dim3A_178 {strides = array<i32>} : memref<1x1xf32, #tpu.memory_space<vmem>>, vector<1x1xf32>,
    } else {
    }
    %get3A_16 = arith.constant 0 : index
    %get3A_17 = arith.constant 0 : index
    %get3A_18 = vector.load %arg1[%get3A_16, %get3A_17] : memref<16x1xi32, #tpu.memory_space<vmem>>, vector<16x1xi32>
    %get3A_19 = arith.constant 0 : index
    %get3A_20 = arith.constant 0 : index
    %get3A_21 = vector.load %arg10[%get3A_19, %get3A_20] : memref<1x1xf32, #tpu.memory_space<vmem>>, vector<1x1xf32>
    %get3A_22 = arith.constant 0 : index
    %get3A_23 = arith.constant 0 : index
    %get3A_24 = arith.constant 0 : index
    %get3A_25 = vector.load %arg5[%get3A_22, %get3A_23, %get3A_24] : memref<256x16x50xf32, #tpu.memory_space<vmem>>, vector<256x16x50xf32>
    %get3A_26 = arith.constant 0 : index
    %get3A_27 = arith.constant 0 : index
    %get3A_28 = vector.load %arg7[%get3A_26, %get3A_27] : memref<256x16xi32, #tpu.memory_space<vmem>>, vector<256x16xi32>
    %mul3A = arith.constant 256 : i32
    %mul3A_29 = arith.muli %arg0, %mul3A : i32
    %broadcast_in_dim3A_30 = vector.shape_cast %get3A_28 : vector<256x16xi32> to vector<256x16x1xi32>
    %iota3A = tpu.iota {dimensions = array<i32: 2>} : vector<256x16x50xi32>
    %iota3A_31 = tpu.iota {dimensions = array<i32: 0>} : vector<256x16x1xi32>
    %add3A = vector.broadcast %mul3A_29 : i32 to vector<256x16x1xi32>
    %add3A_32 = arith.addi %iota3A_31, %add3A : vector<256x16x1xi32>
    %eq3A_33 = vector.broadcast %broadcast_in_dim3A_30 : vector<256x16x1xi32> to vector<256x16x50xi32>
    %eq3A_34 = arith.cmpi eq, %iota3A, %eq3A_33 : vector<256x16x50xi32>
    %get3A_35 = arith.constant 0 : index
    %get3A_36 = arith.constant 0 : index
    %get3A_37 = vector.load %arg2[%get3A_35, %get3A_36] : memref<1x16xi32, #tpu.memory_space<vmem>>, vector<1x16xi32>
    %broadcast_in_dim3A_38 = vector.shape_cast %get3A_37 : vector<1x16xi32> to vector<1x16x1xi32>
    %lt3A = vector.broadcast %broadcast_in_dim3A_38 : vector<1x16x1xi32> to vector<256x16x1xi32>
    %lt3A_39 = arith.cmpi slt, %add3A_32, %lt3A : vector<256x16x1xi32>
    %and3A = vector.broadcast %lt3A_39 : vector<256x16x1xi1> to vector<256x16x50xi1>
    %and3A_40 = arith.andi %eq3A_34, %and3A : vector<256x16x50xi1>
    %jit3A = arith.constant 0.000000e+00 : f32
    %broadcast_in_dim3A_41 = vector.broadcast %jit3A : f32 to vector<256x16x50xf32>
    %select_n3A = arith.select %and3A_40, %get3A_25, %broadcast_in_dim3A_41 : vector<256x16x50xi1>, vector<256x16x50xf32>
    %reduce_sum3A = vector.shape_cast %select_n3A : vector<256x16x50xf32> to vector<1x256x16x50xf32>
    %reduce_sum3A_42 = arith.constant dense<0.000000e+00> : vector<1xf32>
    %reduce_sum3A_43 = vector.multi_reduction <add>, %reduce_sum3A, %reduce_sum3A_42 [1, 2, 3] : vector<1x256x16x50xf32> to vector<1xf32>
    %reduce_sum3A_44 = vector.shape_cast %reduce_sum3A_43 : vector<1xf32> to vector<1x1x1x1xf32>
    %reduce_sum3A_45 = vector.extract %reduce_sum3A_44[0, 0, 0, 0] : f32 from vector<1x1x1x1xf32>
    %add3A_46 = vector.broadcast %reduce_sum3A_45 : f32 to vector<1x1xf32>
    %add3A_47 = arith.addf %get3A_21, %add3A_46 : vector<1x1xf32>
    %get3A_48 = arith.constant 0 : index
    %get3A_49 = arith.constant 0 : index
    %get3A_50 = arith.constant 0 : index
    %get3A_51 = vector.load %arg6[%get3A_48, %get3A_49, %get3A_50] : memref<256x16x50xf32, #tpu.memory_space<vmem>>, vector<256x16x50xf32>
    %get3A_52 = arith.constant 0 : index
    %get3A_53 = arith.constant 0 : index
    %get3A_54 = vector.load %arg8[%get3A_52, %get3A_53] : memref<256x16xi32, #tpu.memory_space<vmem>>, vector<256x16xi32>
    %add3A_55 = arith.constant 1 : i32
    %add3A_56 = arith.addi %arg0, %add3A_55 : i32
    %mul3A_57 = arith.constant 256 : i32
    %mul3A_58 = arith.muli %add3A_56, %mul3A_57 : i32
    %sub3A_59 = arith.constant 2048 : i32
    %sub3A_60 = arith.subi %sub3A_59, %mul3A_58 : i32
    %broadcast_in_dim3A_61 = vector.shape_cast %get3A_54 : vector<256x16xi32> to vector<256x16x1xi32>
    %iota3A_62 = tpu.iota {dimensions = array<i32: 2>} : vector<256x16x50xi32>
    %iota3A_63 = tpu.iota {dimensions = array<i32: 0>} : vector<256x16x1xi32>
    %add3A_64 = vector.broadcast %sub3A_60 : i32 to vector<256x16x1xi32>
    %add3A_65 = arith.addi %iota3A_63, %add3A_64 : vector<256x16x1xi32>
    %eq3A_66 = vector.broadcast %broadcast_in_dim3A_61 : vector<256x16x1xi32> to vector<256x16x50xi32>
    %eq3A_67 = arith.cmpi eq, %iota3A_62, %eq3A_66 : vector<256x16x50xi32>
    %get3A_68 = arith.constant 0 : index
    %get3A_69 = arith.constant 0 : index
    %get3A_70 = vector.load %arg2[%get3A_68, %get3A_69] : memref<1x16xi32, #tpu.memory_space<vmem>>, vector<1x16xi32>
    %broadcast_in_dim3A_71 = vector.shape_cast %get3A_70 : vector<1x16xi32> to vector<1x16x1xi32>
    %lt3A_72 = vector.broadcast %broadcast_in_dim3A_71 : vector<1x16x1xi32> to vector<256x16x1xi32>
    %lt3A_73 = arith.cmpi slt, %add3A_65, %lt3A_72 : vector<256x16x1xi32>
    %and3A_74 = vector.broadcast %lt3A_73 : vector<256x16x1xi1> to vector<256x16x50xi1>
    %and3A_75 = arith.andi %eq3A_67, %and3A_74 : vector<256x16x50xi1>
    %jit3A_76 = arith.constant 0.000000e+00 : f32
    %broadcast_in_dim3A_77 = vector.broadcast %jit3A_76 : f32 to vector<256x16x50xf32>
    %select_n3A_78 = arith.select %and3A_75, %get3A_51, %broadcast_in_dim3A_77 : vector<256x16x50xi1>, vector<256x16x50xf32>
    %reduce_sum3A_79 = vector.shape_cast %select_n3A_78 : vector<256x16x50xf32> to vector<1x256x16x50xf32>
    %reduce_sum3A_80 = arith.constant dense<0.000000e+00> : vector<1xf32>
    %reduce_sum3A_81 = vector.multi_reduction <add>, %reduce_sum3A_79, %reduce_sum3A_80 [1, 2, 3] : vector<1x256x16x50xf32> to vector<1xf32>
    %reduce_sum3A_82 = vector.shape_cast %reduce_sum3A_81 : vector<1xf32> to vector<1x1x1x1xf32>
    %reduce_sum3A_83 = vector.extract %reduce_sum3A_82[0, 0, 0, 0] : f32 from vector<1x1x1x1xf32>
    %add3A_84 = vector.broadcast %reduce_sum3A_83 : f32 to vector<1x1xf32>
    %add3A_85 = arith.addf %add3A_47, %add3A_84 : vector<1x1xf32>
    %swap3A = arith.constant 0 : index
    %swap3A_86 = arith.constant 0 : index
    %swap3A_87 = vector.load %arg10[%swap3A, %swap3A_86] : memref<1x1xf32, #tpu.memory_space<vmem>>, vector<1x1xf32>
    tpu.vector_store %arg10[%swap3A, %swap3A_86], %add3A_85 {strides = array<i32>} : memref<1x1xf32, #tpu.memory_space<vmem>>, vector<1x1xf32>,
    %get3A_88 = arith.constant 0 : index
    %get3A_89 = arith.constant 0 : index
    %get3A_90 = vector.load %arg11[%get3A_88, %get3A_89] : memref<16x50xf32, #tpu.memory_space<vmem>>, vector<16x50xf32>
    %get3A_91 = arith.constant 0 : index
    %get3A_92 = arith.constant 0 : index
    %get3A_93 = vector.load %arg12[%get3A_91, %get3A_92] : memref<16x1xf32, #tpu.memory_space<vmem>>, vector<16x1xf32>
    %get3A_94 = arith.constant 0 : index
    %get3A_95 = arith.constant 0 : index
    %get3A_96 = vector.load %arg13[%get3A_94, %get3A_95] : memref<16x50xf32, #tpu.memory_space<vmem>>, vector<16x50xf32>
    %get3A_97 = arith.constant 0 : index
    %get3A_98 = arith.constant 0 : index
    %get3A_99 = vector.load %arg14[%get3A_97, %get3A_98] : memref<16x1xf32, #tpu.memory_space<vmem>>, vector<16x1xf32>
    %get3A_100 = arith.constant 0 : index
    %get3A_101 = arith.constant 0 : index
    %get3A_102 = vector.load %arg15[%get3A_100, %get3A_101] : memref<16x1xf32, #tpu.memory_space<vmem>>, vector<16x1xf32>
    %get3A_103 = arith.constant 0 : index
    %get3A_104 = arith.constant 0 : index
    %get3A_105 = vector.load %arg16[%get3A_103, %get3A_104] : memref<16x1xf32, #tpu.memory_space<vmem>>, vector<16x1xf32>
    %scan3A = arith.constant 0 : i32
    %scan3A_106 = arith.constant 64 : i32
    %scan3A_107 = arith.addi %scan3A, %scan3A_106 : i32
    %scan3A_108 = arith.constant 1 : i32
    %scan3A_109:6 = scf.for %scan3A_134 = %scan3A to %scan3A_107 step %scan3A_108 iter_args(%scan3A_135 = %get3A_90, %scan3A_136 = %get3A_93, %scan3A_137 = %get3A_96, %scan3A_138 = %get3A_99, %scan3A_139 = %get3A_102, %scan3A_140 = %get3A_105) -> (vector<16x50xf32>, vector<16x1xf32>, vector<16x50xf32>, vector<16x1xf32>, vector<16x1xf32>, vector<16x1xf32>)  : i32 {
      %mul3A_141 = arith.constant 4 : i32
      %mul3A_142 = arith.muli %scan3A_134, %mul3A_141 : i32
      %add3A_143 = arith.constant 0 : i32
      %add3A_144 = arith.addi %mul3A_142, %add3A_143 : i32
      %mul3A_145 = arith.constant 256 : i32
      %mul3A_146 = arith.muli %arg0, %mul3A_145 : i32
      %add3A_147 = arith.addi %mul3A_146, %add3A_144 : i32
      %sub3A_148 = arith.constant 2047 : i32
      %sub3A_149 = arith.subi %sub3A_148, %add3A_147 : i32
      %get3A_150 = arith.index_cast %add3A_144 : i32 to index
      %get3A_151 = arith.constant 0 : index
      %get3A_152 = arith.constant 0 : index
      %get3A_153 = vector.load %arg5[%get3A_150, %get3A_151, %get3A_152] : memref<256x16x50xf32, #tpu.memory_space<vmem>>, vector<1x16x50xf32>
      %get3A_154 = vector.shape_cast %get3A_153 : vector<1x16x50xf32> to vector<16x50xf32>
      %add3A_155 = vector.broadcast %broadcast_in_dim3A : vector<1x50xf32> to vector<16x50xf32>
      %add3A_156 = arith.addf %get3A_154, %add3A_155 : vector<16x50xf32>
      %exp3A_157 = math.exp %add3A_156 : vector<16x50xf32>
      %sub3A_158 = arith.constant 255 : i32
      %sub3A_159 = arith.subi %sub3A_158, %add3A_144 : i32
      %get3A_160 = arith.index_cast %sub3A_159 : i32 to index
      %get3A_161 = arith.constant 0 : index
      %get3A_162 = arith.constant 0 : index
      %get3A_163 = vector.load %arg6[%get3A_160, %get3A_161, %get3A_162] : memref<256x16x50xf32, #tpu.memory_space<vmem>>, vector<1x16x50xf32>
      %get3A_164 = vector.shape_cast %get3A_163 : vector<1x16x50xf32> to vector<16x50xf32>
      %exp3A_165 = math.exp %get3A_164 : vector<16x50xf32>
      %dot_general3A = arith.constant dense<0.000000e+00> : vector<16x50xf32>
      %dot_general3A_166 = tpu.matmul %scan3A_135, %exp3A, %dot_general3A {dimension_numbers = #tpu.dot_dimension_numbers<[1], [0], [0], [1], [0, 0, 1, 1], [], []>, transpose_lhs_hint = false} : vector<16x50xf32>, vector<50x50xf32>, vector<16x50xf32> -> vector<16x50xf32>
      %mul3A_167 = vector.broadcast %scan3A_139 : vector<16x1xf32> to vector<16x50xf32>
      %mul3A_168 = arith.mulf %exp3A_157, %mul3A_167 : vector<16x50xf32>
      %mul3A_169 = arith.mulf %dot_general3A_166, %mul3A_168 : vector<16x50xf32>
      %lt3A_170 = vector.broadcast %add3A_147 : i32 to vector<16x1xi32>
      %lt3A_171 = arith.cmpi slt, %lt3A_170, %get3A_18 : vector<16x1xi32>
      %mul3A_172 = vector.broadcast %scan3A_139 : vector<16x1xf32> to vector<16x50xf32>
      %mul3A_173 = arith.mulf %scan3A_135, %mul3A_172 : vector<16x50xf32>
      %broadcast_in_dim3A_174 = vector.shape_cast %lt3A_171 : vector<16x1xi1> to vector<16x1xi1>
      %broadcast_in_dim3A_175 = vector.broadcast %broadcast_in_dim3A_174 : vector<16x1xi1> to vector<16x50xi1>
      %select_n3A_176 = arith.select %broadcast_in_dim3A_175, %mul3A_169, %mul3A_173 : vector<16x50xi1>, vector<16x50xf32>
      %mul3A_177 = arith.mulf %scan3A_137, %exp3A_165 : vector<16x50xf32>
      %dot_general3A_178 = arith.constant dense<0.000000e+00> : vector<16x50xf32>
      %dot_general3A_179 = tpu.matmul %mul3A_177, %exp3A_12, %dot_general3A_178 {dimension_numbers = #tpu.dot_dimension_numbers<[1], [0], [0], [1], [0, 0, 1, 1], [], []>, transpose_lhs_hint = false} : vector<16x50xf32>, vector<50x50xf32>, vector<16x50xf32> -> vector<16x50xf32>
      %mul3A_180 = vector.broadcast %exp3A_13 : vector<1x50xf32> to vector<16x50xf32>
      %mul3A_181 = vector.broadcast %scan3A_140 : vector<16x1xf32> to vector<16x50xf32>
      %mul3A_182 = arith.mulf %mul3A_180, %mul3A_181 : vector<16x50xf32>
      %mul3A_183 = arith.mulf %dot_general3A_179, %mul3A_182 : vector<16x50xf32>
      %lt3A_184 = vector.broadcast %sub3A_149 : i32 to vector<16x1xi32>
      %lt3A_185 = arith.cmpi slt, %lt3A_184, %get3A_18 : vector<16x1xi32>
      %mul3A_186 = vector.broadcast %scan3A_140 : vector<16x1xf32> to vector<16x50xf32>
      %mul3A_187 = arith.mulf %scan3A_137, %mul3A_186 : vector<16x50xf32>
      %broadcast_in_dim3A_188 = vector.shape_cast %lt3A_185 : vector<16x1xi1> to vector<16x1xi1>
      %broadcast_in_dim3A_189 = vector.broadcast %broadcast_in_dim3A_188 : vector<16x1xi1> to vector<16x50xi1>
      %select_n3A_190 = arith.select %broadcast_in_dim3A_189, %mul3A_183, %mul3A_187 : vector<16x50xi1>, vector<16x50xf32>
      %mul3A_191 = arith.constant 4 : i32
      %mul3A_192 = arith.muli %scan3A_134, %mul3A_191 : i32
      %add3A_193 = arith.constant 1 : i32
      %add3A_194 = arith.addi %mul3A_192, %add3A_193 : i32
      %mul3A_195 = arith.constant 256 : i32
      %mul3A_196 = arith.muli %arg0, %mul3A_195 : i32
      %add3A_197 = arith.addi %mul3A_196, %add3A_194 : i32
      %sub3A_198 = arith.constant 2047 : i32
      %sub3A_199 = arith.subi %sub3A_198, %add3A_197 : i32
      %get3A_200 = arith.index_cast %add3A_194 : i32 to index
      %get3A_201 = arith.constant 0 : index
      %get3A_202 = arith.constant 0 : index
      %get3A_203 = vector.load %arg5[%get3A_200, %get3A_201, %get3A_202] : memref<256x16x50xf32, #tpu.memory_space<vmem>>, vector<1x16x50xf32>
      %get3A_204 = vector.shape_cast %get3A_203 : vector<1x16x50xf32> to vector<16x50xf32>
      %add3A_205 = vector.broadcast %broadcast_in_dim3A : vector<1x50xf32> to vector<16x50xf32>
      %add3A_206 = arith.addf %get3A_204, %add3A_205 : vector<16x50xf32>
      %exp3A_207 = math.exp %add3A_206 : vector<16x50xf32>
      %sub3A_208 = arith.constant 255 : i32
      %sub3A_209 = arith.subi %sub3A_208, %add3A_194 : i32
      %get3A_210 = arith.index_cast %sub3A_209 : i32 to index
      %get3A_211 = arith.constant 0 : index
      %get3A_212 = arith.constant 0 : index
      %get3A_213 = vector.load %arg6[%get3A_210, %get3A_211, %get3A_212] : memref<256x16x50xf32, #tpu.memory_space<vmem>>, vector<1x16x50xf32>
      %get3A_214 = vector.shape_cast %get3A_213 : vector<1x16x50xf32> to vector<16x50xf32>
      %exp3A_215 = math.exp %get3A_214 : vector<16x50xf32>
      %dot_general3A_216 = arith.constant dense<0.000000e+00> : vector<16x50xf32>
      %dot_general3A_217 = tpu.matmul %select_n3A_176, %exp3A, %dot_general3A_216 {dimension_numbers = #tpu.dot_dimension_numbers<[1], [0], [0], [1], [0, 0, 1, 1], [], []>, transpose_lhs_hint = false} : vector<16x50xf32>, vector<50x50xf32>, vector<16x50xf32> -> vector<16x50xf32>
      %mul3A_218 = arith.mulf %dot_general3A_217, %exp3A_207 : vector<16x50xf32>
      %lt3A_219 = vector.broadcast %add3A_197 : i32 to vector<16x1xi32>
      %lt3A_220 = arith.cmpi slt, %lt3A_219, %get3A_18 : vector<16x1xi32>
      %broadcast_in_dim3A_221 = vector.shape_cast %lt3A_220 : vector<16x1xi1> to vector<16x1xi1>
      %broadcast_in_dim3A_222 = vector.broadcast %broadcast_in_dim3A_221 : vector<16x1xi1> to vector<16x50xi1>
      %select_n3A_223 = arith.select %broadcast_in_dim3A_222, %mul3A_218, %select_n3A_176 : vector<16x50xi1>, vector<16x50xf32>
      %mul3A_224 = arith.mulf %select_n3A_190, %exp3A_215 : vector<16x50xf32>
      %dot_general3A_225 = arith.constant dense<0.000000e+00> : vector<16x50xf32>
      %dot_general3A_226 = tpu.matmul %mul3A_224, %exp3A_12, %dot_general3A_225 {dimension_numbers = #tpu.dot_dimension_numbers<[1], [0], [0], [1], [0, 0, 1, 1], [], []>, transpose_lhs_hint = false} : vector<16x50xf32>, vector<50x50xf32>, vector<16x50xf32> -> vector<16x50xf32>
      %mul3A_227 = vector.broadcast %exp3A_13 : vector<1x50xf32> to vector<16x50xf32>
      %mul3A_228 = arith.mulf %dot_general3A_226, %mul3A_227 : vector<16x50xf32>
      %lt3A_229 = vector.broadcast %sub3A_199 : i32 to vector<16x1xi32>
      %lt3A_230 = arith.cmpi slt, %lt3A_229, %get3A_18 : vector<16x1xi32>
      %broadcast_in_dim3A_231 = vector.shape_cast %lt3A_230 : vector<16x1xi1> to vector<16x1xi1>
      %broadcast_in_dim3A_232 = vector.broadcast %broadcast_in_dim3A_231 : vector<16x1xi1> to vector<16x50xi1>
      %select_n3A_233 = arith.select %broadcast_in_dim3A_232, %mul3A_228, %select_n3A_190 : vector<16x50xi1>, vector<16x50xf32>
      %mul3A_234 = arith.constant 4 : i32
      %mul3A_235 = arith.muli %scan3A_134, %mul3A_234 : i32
      %add3A_236 = arith.constant 2 : i32
      %add3A_237 = arith.addi %mul3A_235, %add3A_236 : i32
      %mul3A_238 = arith.constant 256 : i32
      %mul3A_239 = arith.muli %arg0, %mul3A_238 : i32
      %add3A_240 = arith.addi %mul3A_239, %add3A_237 : i32
      %sub3A_241 = arith.constant 2047 : i32
      %sub3A_242 = arith.subi %sub3A_241, %add3A_240 : i32
      %get3A_243 = arith.index_cast %add3A_237 : i32 to index
      %get3A_244 = arith.constant 0 : index
      %get3A_245 = arith.constant 0 : index
      %get3A_246 = vector.load %arg5[%get3A_243, %get3A_244, %get3A_245] : memref<256x16x50xf32, #tpu.memory_space<vmem>>, vector<1x16x50xf32>
      %get3A_247 = vector.shape_cast %get3A_246 : vector<1x16x50xf32> to vector<16x50xf32>
      %add3A_248 = vector.broadcast %broadcast_in_dim3A : vector<1x50xf32> to vector<16x50xf32>
      %add3A_249 = arith.addf %get3A_247, %add3A_248 : vector<16x50xf32>
      %exp3A_250 = math.exp %add3A_249 : vector<16x50xf32>
      %sub3A_251 = arith.constant 255 : i32
      %sub3A_252 = arith.subi %sub3A_251, %add3A_237 : i32
      %get3A_253 = arith.index_cast %sub3A_252 : i32 to index
      %get3A_254 = arith.constant 0 : index
      %get3A_255 = arith.constant 0 : index
      %get3A_256 = vector.load %arg6[%get3A_253, %get3A_254, %get3A_255] : memref<256x16x50xf32, #tpu.memory_space<vmem>>, vector<1x16x50xf32>
      %get3A_257 = vector.shape_cast %get3A_256 : vector<1x16x50xf32> to vector<16x50xf32>
      %exp3A_258 = math.exp %get3A_257 : vector<16x50xf32>
      %dot_general3A_259 = arith.constant dense<0.000000e+00> : vector<16x50xf32>
      %dot_general3A_260 = tpu.matmul %select_n3A_223, %exp3A, %dot_general3A_259 {dimension_numbers = #tpu.dot_dimension_numbers<[1], [0], [0], [1], [0, 0, 1, 1], [], []>, transpose_lhs_hint = false} : vector<16x50xf32>, vector<50x50xf32>, vector<16x50xf32> -> vector<16x50xf32>
      %mul3A_261 = arith.mulf %dot_general3A_260, %exp3A_250 : vector<16x50xf32>
      %lt3A_262 = vector.broadcast %add3A_240 : i32 to vector<16x1xi32>
      %lt3A_263 = arith.cmpi slt, %lt3A_262, %get3A_18 : vector<16x1xi32>
      %broadcast_in_dim3A_264 = vector.shape_cast %lt3A_263 : vector<16x1xi1> to vector<16x1xi1>
      %broadcast_in_dim3A_265 = vector.broadcast %broadcast_in_dim3A_264 : vector<16x1xi1> to vector<16x50xi1>
      %select_n3A_266 = arith.select %broadcast_in_dim3A_265, %mul3A_261, %select_n3A_223 : vector<16x50xi1>, vector<16x50xf32>
      %mul3A_267 = arith.mulf %select_n3A_233, %exp3A_258 : vector<16x50xf32>
      %dot_general3A_268 = arith.constant dense<0.000000e+00> : vector<16x50xf32>
      %dot_general3A_269 = tpu.matmul %mul3A_267, %exp3A_12, %dot_general3A_268 {dimension_numbers = #tpu.dot_dimension_numbers<[1], [0], [0], [1], [0, 0, 1, 1], [], []>, transpose_lhs_hint = false} : vector<16x50xf32>, vector<50x50xf32>, vector<16x50xf32> -> vector<16x50xf32>
      %mul3A_270 = vector.broadcast %exp3A_13 : vector<1x50xf32> to vector<16x50xf32>
      %mul3A_271 = arith.mulf %dot_general3A_269, %mul3A_270 : vector<16x50xf32>
      %lt3A_272 = vector.broadcast %sub3A_242 : i32 to vector<16x1xi32>
      %lt3A_273 = arith.cmpi slt, %lt3A_272, %get3A_18 : vector<16x1xi32>
      %broadcast_in_dim3A_274 = vector.shape_cast %lt3A_273 : vector<16x1xi1> to vector<16x1xi1>
      %broadcast_in_dim3A_275 = vector.broadcast %broadcast_in_dim3A_274 : vector<16x1xi1> to vector<16x50xi1>
      %select_n3A_276 = arith.select %broadcast_in_dim3A_275, %mul3A_271, %select_n3A_233 : vector<16x50xi1>, vector<16x50xf32>
      %mul3A_277 = arith.constant 4 : i32
      %mul3A_278 = arith.muli %scan3A_134, %mul3A_277 : i32
      %add3A_279 = arith.constant 3 : i32
      %add3A_280 = arith.addi %mul3A_278, %add3A_279 : i32
      %mul3A_281 = arith.constant 256 : i32
      %mul3A_282 = arith.muli %arg0, %mul3A_281 : i32
      %add3A_283 = arith.addi %mul3A_282, %add3A_280 : i32
      %sub3A_284 = arith.constant 2047 : i32
      %sub3A_285 = arith.subi %sub3A_284, %add3A_283 : i32
      %get3A_286 = arith.index_cast %add3A_280 : i32 to index
      %get3A_287 = arith.constant 0 : index
      %get3A_288 = arith.constant 0 : index
      %get3A_289 = vector.load %arg5[%get3A_286, %get3A_287, %get3A_288] : memref<256x16x50xf32, #tpu.memory_space<vmem>>, vector<1x16x50xf32>
      %get3A_290 = vector.shape_cast %get3A_289 : vector<1x16x50xf32> to vector<16x50xf32>
      %add3A_291 = vector.broadcast %broadcast_in_dim3A : vector<1x50xf32> to vector<16x50xf32>
      %add3A_292 = arith.addf %get3A_290, %add3A_291 : vector<16x50xf32>
      %exp3A_293 = math.exp %add3A_292 : vector<16x50xf32>
      %sub3A_294 = arith.constant 255 : i32
      %sub3A_295 = arith.subi %sub3A_294, %add3A_280 : i32
      %get3A_296 = arith.index_cast %sub3A_295 : i32 to index
      %get3A_297 = arith.constant 0 : index
      %get3A_298 = arith.constant 0 : index
      %get3A_299 = vector.load %arg6[%get3A_296, %get3A_297, %get3A_298] : memref<256x16x50xf32, #tpu.memory_space<vmem>>, vector<1x16x50xf32>
      %get3A_300 = vector.shape_cast %get3A_299 : vector<1x16x50xf32> to vector<16x50xf32>
      %exp3A_301 = math.exp %get3A_300 : vector<16x50xf32>
      %dot_general3A_302 = arith.constant dense<0.000000e+00> : vector<16x50xf32>
      %dot_general3A_303 = tpu.matmul %select_n3A_266, %exp3A, %dot_general3A_302 {dimension_numbers = #tpu.dot_dimension_numbers<[1], [0], [0], [1], [0, 0, 1, 1], [], []>, transpose_lhs_hint = false} : vector<16x50xf32>, vector<50x50xf32>, vector<16x50xf32> -> vector<16x50xf32>
      %mul3A_304 = arith.mulf %dot_general3A_303, %exp3A_293 : vector<16x50xf32>
      %lt3A_305 = vector.broadcast %add3A_283 : i32 to vector<16x1xi32>
      %lt3A_306 = arith.cmpi slt, %lt3A_305, %get3A_18 : vector<16x1xi32>
      %broadcast_in_dim3A_307 = vector.shape_cast %lt3A_306 : vector<16x1xi1> to vector<16x1xi1>
      %broadcast_in_dim3A_308 = vector.broadcast %broadcast_in_dim3A_307 : vector<16x1xi1> to vector<16x50xi1>
      %select_n3A_309 = arith.select %broadcast_in_dim3A_308, %mul3A_304, %select_n3A_266 : vector<16x50xi1>, vector<16x50xf32>
      %mul3A_310 = arith.mulf %select_n3A_276, %exp3A_301 : vector<16x50xf32>
      %dot_general3A_311 = arith.constant dense<0.000000e+00> : vector<16x50xf32>
      %dot_general3A_312 = tpu.matmul %mul3A_310, %exp3A_12, %dot_general3A_311 {dimension_numbers = #tpu.dot_dimension_numbers<[1], [0], [0], [1], [0, 0, 1, 1], [], []>, transpose_lhs_hint = false} : vector<16x50xf32>, vector<50x50xf32>, vector<16x50xf32> -> vector<16x50xf32>
      %mul3A_313 = vector.broadcast %exp3A_13 : vector<1x50xf32> to vector<16x50xf32>
      %mul3A_314 = arith.mulf %dot_general3A_312, %mul3A_313 : vector<16x50xf32>
      %lt3A_315 = vector.broadcast %sub3A_285 : i32 to vector<16x1xi32>
      %lt3A_316 = arith.cmpi slt, %lt3A_315, %get3A_18 : vector<16x1xi32>
      %broadcast_in_dim3A_317 = vector.shape_cast %lt3A_316 : vector<16x1xi1> to vector<16x1xi1>
      %broadcast_in_dim3A_318 = vector.broadcast %broadcast_in_dim3A_317 : vector<16x1xi1> to vector<16x50xi1>
      %select_n3A_319 = arith.select %broadcast_in_dim3A_318, %mul3A_314, %select_n3A_276 : vector<16x50xi1>, vector<16x50xf32>
      %reduce_max3A_320 = arith.constant dense<0xFF800000> : vector<16xf32>
      %reduce_max3A_321 = vector.multi_reduction <maximumf>, %select_n3A_309, %reduce_max3A_320 [1] : vector<16x50xf32> to vector<16xf32>
      %broadcast_in_dim3A_322 = vector.shape_cast %reduce_max3A_321 : vector<16xf32> to vector<16x1xf32>
      %reduce_max3A_323 = arith.constant dense<0xFF800000> : vector<16xf32>
      %reduce_max3A_324 = vector.multi_reduction <maximumf>, %select_n3A_319, %reduce_max3A_323 [1] : vector<16x50xf32> to vector<16xf32>
      %broadcast_in_dim3A_325 = vector.shape_cast %reduce_max3A_324 : vector<16xf32> to vector<16x1xf32>
      %log3A = math.log %broadcast_in_dim3A_322 : vector<16x1xf32>
      %add3A_326 = arith.addf %scan3A_136, %log3A : vector<16x1xf32>
      %log3A_327 = math.log %broadcast_in_dim3A_325 : vector<16x1xf32>
      %add3A_328 = arith.addf %scan3A_138, %log3A_327 : vector<16x1xf32>
      %div3A = arith.constant 1.000000e+00 : f32
      %div3A_329 = vector.broadcast %div3A : f32 to vector<16x1xf32>
      %div3A_330 = arith.divf %div3A_329, %broadcast_in_dim3A_322 : vector<16x1xf32>
      %div3A_331 = arith.constant 1.000000e+00 : f32
      %div3A_332 = vector.broadcast %div3A_331 : f32 to vector<16x1xf32>
      %div3A_333 = arith.divf %div3A_332, %broadcast_in_dim3A_325 : vector<16x1xf32>
      scf.yield %select_n3A_309, %add3A_326, %select_n3A_319, %add3A_328, %div3A_330, %div3A_333 : vector<16x50xf32>, vector<16x1xf32>, vector<16x50xf32>, vector<16x1xf32>, vector<16x1xf32>, vector<16x1xf32>
    }
    %scan3A_110 = arith.constant 64 : i32
    %swap3A_111 = arith.constant 0 : index
    %swap3A_112 = arith.constant 0 : index
    %swap3A_113 = vector.load %arg11[%swap3A_111, %swap3A_112] : memref<16x50xf32, #tpu.memory_space<vmem>>, vector<16x50xf32>
    tpu.vector_store %arg11[%swap3A_111, %swap3A_112], %scan3A_109#0 {strides = array<i32>} : memref<16x50xf32, #tpu.memory_space<vmem>>, vector<16x50xf32>,
    %swap3A_114 = arith.constant 0 : index
    %swap3A_115 = arith.constant 0 : index
    %swap3A_116 = vector.load %arg12[%swap3A_114, %swap3A_115] : memref<16x1xf32, #tpu.memory_space<vmem>>, vector<16x1xf32>
    tpu.vector_store %arg12[%swap3A_114, %swap3A_115], %scan3A_109#1 {strides = array<i32>} : memref<16x1xf32, #tpu.memory_space<vmem>>, vector<16x1xf32>,
    %swap3A_117 = arith.constant 0 : index
    %swap3A_118 = arith.constant 0 : index
    %swap3A_119 = vector.load %arg13[%swap3A_117, %swap3A_118] : memref<16x50xf32, #tpu.memory_space<vmem>>, vector<16x50xf32>
    tpu.vector_store %arg13[%swap3A_117, %swap3A_118], %scan3A_109#2 {strides = array<i32>} : memref<16x50xf32, #tpu.memory_space<vmem>>, vector<16x50xf32>,
    %swap3A_120 = arith.constant 0 : index
    %swap3A_121 = arith.constant 0 : index
    %swap3A_122 = vector.load %arg14[%swap3A_120, %swap3A_121] : memref<16x1xf32, #tpu.memory_space<vmem>>, vector<16x1xf32>
    tpu.vector_store %arg14[%swap3A_120, %swap3A_121], %scan3A_109#3 {strides = array<i32>} : memref<16x1xf32, #tpu.memory_space<vmem>>, vector<16x1xf32>,
    %swap3A_123 = arith.constant 0 : index
    %swap3A_124 = arith.constant 0 : index
    %swap3A_125 = vector.load %arg15[%swap3A_123, %swap3A_124] : memref<16x1xf32, #tpu.memory_space<vmem>>, vector<16x1xf32>
    tpu.vector_store %arg15[%swap3A_123, %swap3A_124], %scan3A_109#4 {strides = array<i32>} : memref<16x1xf32, #tpu.memory_space<vmem>>, vector<16x1xf32>,
    %swap3A_126 = arith.constant 0 : index
    %swap3A_127 = arith.constant 0 : index
    %swap3A_128 = vector.load %arg16[%swap3A_126, %swap3A_127] : memref<16x1xf32, #tpu.memory_space<vmem>>, vector<16x1xf32>
    tpu.vector_store %arg16[%swap3A_126, %swap3A_127], %scan3A_109#5 {strides = array<i32>} : memref<16x1xf32, #tpu.memory_space<vmem>>, vector<16x1xf32>,
    %eq3A_129 = arith.constant 3 : i32
    %eq3A_130 = arith.cmpi eq, %arg0, %eq3A_129 : i32
    %convert_element_type3A_131 = arith.extui %eq3A_130 : i1 to i32
    %cond3A_132 = arith.constant 0 : i32
    %cond3A_133 = arith.cmpi ne, %convert_element_type3A_131, %cond3A_132 : i32
    scf.if %cond3A_133 {
      %mul3A_134 = vector.broadcast %scan3A_109#4 : vector<16x1xf32> to vector<16x50xf32>
      %mul3A_135 = arith.mulf %scan3A_109#0, %mul3A_134 : vector<16x50xf32>
      %mul3A_136 = vector.broadcast %scan3A_109#5 : vector<16x1xf32> to vector<16x50xf32>
      %mul3A_137 = arith.mulf %scan3A_109#2, %mul3A_136 : vector<16x50xf32>
      %mul3A_138 = arith.mulf %mul3A_135, %mul3A_137 : vector<16x50xf32>
      %reduce_sum3A_139 = arith.constant dense<0.000000e+00> : vector<16xf32>
      %reduce_sum3A_140 = vector.multi_reduction <add>, %mul3A_138, %reduce_sum3A_139 [1] : vector<16x50xf32> to vector<16xf32>
      %broadcast_in_dim3A_141 = vector.shape_cast %reduce_sum3A_140 : vector<16xf32> to vector<16x1xf32>
      %add3A_142 = arith.addf %scan3A_109#1, %scan3A_109#3 : vector<16x1xf32>
      %log3A = math.log %broadcast_in_dim3A_141 : vector<16x1xf32>
      %add3A_143 = arith.addf %add3A_142, %log3A : vector<16x1xf32>
      %swap3A_144 = arith.constant 0 : index
      %swap3A_145 = arith.constant 0 : index
      %swap3A_146 = vector.load %arg9[%swap3A_144, %swap3A_145] : memref<16x1xf32, #tpu.memory_space<vmem>>, vector<16x1xf32>
      tpu.vector_store %arg9[%swap3A_144, %swap3A_145], %add3A_143 {strides = array<i32>} : memref<16x1xf32, #tpu.memory_space<vmem>>, vector<16x1xf32>,
    } else {
    }
    return
  }
  func.func @transform_0(%arg0: i32) -> (i32, i32) {
    %c0_i32 = arith.constant 0 : i32
    %c0_i32_0 = arith.constant 0 : i32
    %c0_i32_1 = arith.constant 0 : i32
    return %c0_i32, %c0_i32_0 : i32, i32
  }
  func.func @transform_1(%arg0: i32) -> (i32, i32) {
    %c0_i32 = arith.constant 0 : i32
    %c0_i32_0 = arith.constant 0 : i32
    %c0_i32_1 = arith.constant 0 : i32
    return %c0_i32, %c0_i32_0 : i32, i32
  }
  func.func @transform_2(%arg0: i32) -> (i32, i32) {
    %c0_i32 = arith.constant 0 : i32
    %c0_i32_0 = arith.constant 0 : i32
    %c0_i32_1 = arith.constant 0 : i32
    return %c0_i32, %c0_i32_0 : i32, i32
  }
  func.func @transform_3(%arg0: i32) -> (i32, i32) {
    %c0_i32 = arith.constant 0 : i32
    %c0_i32_0 = arith.constant 0 : i32
    %c0_i32_1 = arith.constant 0 : i32
    return %c0_i32, %c0_i32_0 : i32, i32
  }
  func.func @transform_4(%arg0: i32) -> (i32, i32, i32) {
    %c0_i32 = arith.constant 0 : i32
    %c0_i32_0 = arith.constant 0 : i32
    %c0_i32_1 = arith.constant 0 : i32
    return %arg0, %c0_i32, %c0_i32_0 : i32, i32, i32
  }
  func.func @transform_5(%arg0: i32) -> (i32, i32, i32) {
    %sub3A = arith.constant 7 : i32
    %sub3A_0 = arith.subi %sub3A, %arg0 : i32
    %c0_i32 = arith.constant 0 : i32
    %c0_i32_1 = arith.constant 0 : i32
    %c0_i32_2 = arith.constant 0 : i32
    return %sub3A_0, %c0_i32, %c0_i32_1 : i32, i32, i32
  }
  func.func @transform_6(%arg0: i32) -> (i32, i32) {
    %c0_i32 = arith.constant 0 : i32
    %c0_i32_0 = arith.constant 0 : i32
    return %arg0, %c0_i32 : i32, i32
  }
  func.func @transform_7(%arg0: i32) -> (i32, i32) {
    %sub3A = arith.constant 7 : i32
    %sub3A_0 = arith.subi %sub3A, %arg0 : i32
    %c0_i32 = arith.constant 0 : i32
    %c0_i32_1 = arith.constant 0 : i32
    return %sub3A_0, %c0_i32 : i32, i32
  }
  func.func @transform_8(%arg0: i32) -> (i32, i32) {
    %c0_i32 = arith.constant 0 : i32
    %c0_i32_0 = arith.constant 0 : i32
    %c0_i32_1 = arith.constant 0 : i32
    return %c0_i32, %c0_i32_0 : i32, i32
  }
  func.func @transform_9(%arg0: i32) -> (i32, i32) {
    %c0_i32 = arith.constant 0 : i32
    %c0_i32_0 = arith.constant 0 : i32
    %c0_i32_1 = arith.constant 0 : i32
    return %c0_i32, %c0_i32_0 : i32, i32
  }
}

</mosaic_0001>

<sc_bundles>
// kernel: kernel.4.cloned.1.call-start
scs
__scs_entry_jumppad:
0x0: {  	(pc) =	sbr.rel $0x88, $3  }
0x1: {  	(tag) =	ssettag $0x0;
	lr =	simm.s32 $0x1  }
0x2: {  	[smem:$0x3F9D] =	sst lr;
	_ =	strace $0xD0000000  }
0x3: {  	_ = 	snop  }
0x4: {  	_ = 	snop  }
0x5: {  	_ = 	snop  }
0x6: {  	_ = 	snop  }
0x7: {  	_ = 	snop  }
__scs_overlays_trampoline_lowered:
0x8: {  	[smem:$0x3FAC] =	sst s0  }
0x9: {  	[smem:$0x3FAD] =	sst s1  }
0xa: {  	[smem:$0x3FAE] =	sst s2  }
0xb: {  	[smem:$0x3FAF] =	sst s3  }
0xc: {  	[smem:$0x3FB0] =	sst s4  }
0xd: {  	[smem:$0x3FB1] =	sst s5  }
0xe: {  	[smem:$0x3FB2] =	sst s6  }
0xf: {  	[smem:$0x3FB3] =	sst s7  }
0x10: {  	[smem:$0x3FB4] =	sst s8  }
0x11: {  	[smem:$0x3FB5] =	sst s9;
	s0 =	simm.s32 @!p0 $0x0  }
0x12: {  	s1 =	sld [smem:$0x3F9B];
	s0 =	simm.s32 @p0 $0x1  }
0x13: {  	[smem:$0x3FB6] =	sst s0;
	s0 =	simm.s32 @!p1 $0x0  }
0x14: {  	s2 =	sld [smem:$0x3F9A];
	s0 =	simm.s32 @p1 $0x1  }
0x15: {  	[smem:$0x3FB7] =	sst s0;
	s0 =	simm.s32 @!p2 $0x0  }
0x16: {  	s3 =	sld [smem:$0x3FDB];
	s0 =	simm.s32 @p2 $0x1  }
0x17: {  	s4 =	simm.s32 $0x1BF5;
	[smem:$0x3FB9] =	sst s0  }
0x18: {  	s0 =	sld [smem:$0x3F9C];
	_ =	swait.ge [sflag:s4], $0x0  }
0x19: {  	s7 =	sld [smem:$0x3F9D]  }
0x1a: {  	s8 =	sadd.s32 $0xFFFFE003, lr  }
0x1b: {  	s9 =	sadd.s32 $0xFFFFFEF7, lr;
	s5 =	simm.s32 $0xFFFFFFFF;
	p2 =	slt.u32 s8, $0xFFFFF086  }
0x1c: {  	p1 =	slt.u32 s9, $0xF7A;
	s5 =	simm.s32 @!p2 $0x0  }
0x1d: {  	s5 =	simm.s32 @p1 $0x1;
	p0 =	seq.s32 s7, s2  }
0x1e: {  	s7 =	smul.u32 @!p0 $0xF7A, s2;
	p2 =	seq.s32 @!p0 s5, $0x0  }
0x1f: {  	s9 =	smul.u32 $0xF7A, s1;
	s8 =	simm.s32 @!p0 $0x1BF5;
	p2 =	por !p2, p0  }
0x20: {  	[sflag:s8] =	ssyncset.s32 @!p0 $0xFFFFF086;
	s6 =	sadd.s32 @!p0 s3, s7;
	s7 =	simm.s32 @!p0 $0x108  }
0x21: {  	s3 =	sadd.s32 s3, s9;
	s6 =	sadd.s32 @!p0 $0x88, s6;
	s7 =	simm.s32 @p2 $0x1082  }
0x22: {  	[simem:s7], [sflag:s8] =	dma.local @!p0 [hbm:s6], $0xF7A  }
0x23: {  	s9 =	sor.u32 $0xD0000000, s2;
	s6 =	simm.s32 $0x108;
	_ =	swait.ge @!p0 [sflag:s8], $0x0  }
0x24: {  	s3 =	sadd.s32 $0x88, s3;
	s6 =	simm.s32 @!p1 $0x1082;
	[sflag:s4] =	ssyncset.s32 $0xFFFFF086  }
0x25: {  	[simem:s6], [sflag:s4] =	dma.local [hbm:s3], $0xF7A  }
0x26: {  	[smem:$0x3F9D] =	sst s1;
	(tag) =	ssettag s2;
	_ =	strace s9  }
0x27: {  	s1 =	sld [smem:$0x3FAD]  }
0x28: {  	s2 =	sld [smem:$0x3FAE]  }
0x29: {  	s4 =	sld [smem:$0x3FB0]  }
0x2a: {  	p0 =	seq.s32 s5, $0x0;
	s5 =	sld [smem:$0x3FB1]  }
0x2b: {  	s6 =	sld [smem:$0x3FB2]  }
0x2c: {  	s7 =	sld [smem:$0x3FB3]  }
0x2d: {  	s3 =	simm.s32 $0x108;
	s8 =	sld [smem:$0x3FB4]  }
0x2e: {  	s3 =	simm.s32 @!p0 $0x1082;
	s9 =	sld [smem:$0x3FB5]  }
0x2f: {  	lr =	sadd.s32 s0, s3;
	s0 =	sld [smem:$0x3FAC]  }
0x30: {  	s3 =	sld [smem:$0x3FAF]  }
0x31: {  	[smem:$0x3FB8] =	sst s10  }
0x32: {  	s10 =	sld [smem:$0x3FB6];
	_ =	sdelay $0x3  }
0x33: {  	p0 =	seq.s32 s10, $0x1;
	s10 =	sld [smem:$0x3FB8];
	_ =	sdelay $0x3  }
0x34: {  	[smem:$0x3FB8] =	sst s10  }
0x35: {  	s10 =	sld [smem:$0x3FB7];
	_ =	sdelay $0x3  }
0x36: {  	p1 =	seq.s32 s10, $0x1;
	s10 =	sld [smem:$0x3FB8];
	_ =	sdelay $0x3  }
0x37: {  	[smem:$0x3FB8] =	sst s10  }
0x38: {  	s10 =	sld [smem:$0x3FB9]  }
0x39: {  	_ = 	snop;
	(pc) =	sbr.ind lr, $3  }
0x3a: {  	_ = 	snop  }
0x3b: {  	_ = 	snop  }
0x3c: {  	p2 =	seq.s32 s10, $0x1;
	s10 =	sld [smem:$0x3FB8]  }
0x3d: {  	_ =	shalt  }
0x3e: {  	_ =	shalt  }
0x3f: {  	_ =	shalt  }
0x40: {  	_ =	shalt  }
0x41: {  	_ =	shalt  }
0x42: {  	_ =	shalt  }
0x43: {  	_ =	shalt  }
0x44: {  	_ =	shalt  }
0x45: {  	_ =	shalt  }
0x46: {  	_ =	shalt  }
0x47: {  	_ =	shalt  }
0x48: {  	_ =	shalt  }
0x49: {  	_ =	shalt  }
0x4a: {  	_ =	shalt  }
0x4b: {  	_ =	shalt  }
0x4c: {  	_ =	shalt  }
0x4d: {  	_ =	shalt  }
0x4e: {  	_ =	shalt  }
0x4f: {  	_ =	shalt  }
0x50: {  	_ =	shalt  }
0x51: {  	_ =	shalt  }
0x52: {  	_ =	shalt  }
0x53: {  	_ =	shalt  }
0x54: {  	_ =	shalt  }
0x55: {  	_ =	shalt  }
0x56: {  	_ =	shalt  }
0x57: {  	_ =	shalt  }
0x58: {  	_ =	shalt  }
0x59: {  	_ =	shalt  }
0x5a: {  	_ =	shalt  }
0x5b: {  	_ =	shalt  }
0x5c: {  	_ =	shalt  }
0x5d: {  	_ =	shalt  }
0x5e: {  	_ =	shalt  }
0x5f: {  	_ =	shalt  }
0x60: {  	_ =	shalt  }
0x61: {  	_ =	shalt  }
0x62: {  	_ =	shalt  }
0x63: {  	_ =	shalt  }
0x64: {  	_ =	shalt  }
0x65: {  	_ =	shalt  }
0x66: {  	_ =	shalt  }
0x67: {  	_ =	shalt  }
0x68: {  	_ =	shalt  }
0x69: {  	_ =	shalt  }
0x6a: {  	_ =	shalt  }
0x6b: {  	_ =	shalt  }
0x6c: {  	_ =	shalt  }
0x6d: {  	_ =	shalt  }
0x6e: {  	_ =	shalt  }
0x6f: {  	_ =	shalt  }
0x70: {  	_ =	shalt  }
0x71: {  	_ =	shalt  }
0x72: {  	_ =	shalt  }
0x73: {  	_ =	shalt  }
0x74: {  	_ =	shalt  }
0x75: {  	_ =	shalt  }
0x76: {  	_ =	shalt  }
0x77: {  	_ =	shalt  }
0x78: {  	_ =	shalt  }
0x79: {  	_ =	shalt  }
0x7a: {  	_ =	shalt  }
0x7b: {  	_ =	shalt  }
0x7c: {  	_ =	shalt  }
0x7d: {  	_ =	shalt  }
0x7e: {  	_ =	shalt  }
0x7f: {  	_ =	shalt  }
0x80: {  	_ =	shalt  }
0x81: {  	_ =	shalt  }
0x82: {  	_ =	shalt  }
0x83: {  	_ =	shalt  }
0x84: {  	_ =	shalt  }
0x85: {  	_ =	shalt  }
0x86: {  	_ =	shalt  }
0x87: {  	_ =	shalt  }
.Lfunc_end0:
.L_simem_size_0:
called_computation_lowered:
.L_overlay_start_0:
0x88: {  	s2 =	sld [smem:$0x3FD9]  }
0x89: {  	s3 =	sld [smem:$0x3FFE];
	_ =	sdelay $0x1  }
0x8a: {  	s1 =	srdreg.scid  }
0x8b: {  	s0 =	sand.u32 $0x1, s1  }
0x8c: {  	s17 =	sshll.u32 s0, $0xA;
	s2 =	sadd.s32 s3, s2  }
0x8d: {  	s2 =	sadd.s32 s2, s17  }
0x8e: {  	[smem:$0x3FC4] =	sst s2  }
0x8f: {  	_ = 	snop  }
0x90: {  	s2 =	sld [smem:$0x3FC7];
	(tm) =	ssettm $0x1  }
0x91: {  	s18 =	sld [smem:$0x3FFB];
	_ =	sdelay $0x3  }
0x92: {  	_ =	strace s18  }
0x93: {  	s3 =	sld [smem:$0x3FFC];
	_ =	sdelay $0x3  }
0x94: {  	_ =	strace s3  }
0x95: {  	s3 =	sld [smem:$0x3FFD];
	_ =	sdelay $0x3  }
0x96: {  	_ =	strace s3  }
0x97: {  	_ =	strace $0x8FFFFFFF  }
0x98: {  	s19 =	sld [smem:$0x3FDB];
	_ =	sdelay $0x1  }
0x99: {  	s4 =	simm.s32 $_scs_section_size  }
0x9a: {  	s5 =	simm.s32 $_size__tile_overlayer_lowered;
	s6 =	simm.s32 $_tile_overlayer_lowered  }
0x9b: {  	s22 =	simm.s32 $0x1BFF;
	s21 =	sshll.u32 s6, $0x1;
	s3 =	sadd.s32 s4, s19  }
0x9c: {  	s7 =	simm.s32 $0x0;
	s20 =	sshll.u32 s5, $0x1;
	s5 =	sadd.s32 s21, s3  }
0x9d: {  	[timem:s7], [sflag:s22] =	dma.local [hbm:s5], s20  }
0x9e: {  	_ =	swait.ge [sflag:s22], s20  }
0x9f: {  	s4 =	ssub.s32 $0x0, s20;
	[sflag:s22] =	ssyncset.done $0x0  }
0xa0: {  	[sflag:s22] =	ssyncadd.s32 s4;
	_ =	sdelay $0x1  }
0xa1: {  	s23 =	simm.s32 $0x1B8B  }
0xa2: {  	_ =	swait.ge [sflag:s23], $0x1  }
0xa3: {  	[sflag:s23] =	ssyncset.done $0x0  }
0xa4: {  	s25 =	simm.s32 $0x1B8E;
	s24 =	sld [smem:$0x3FFE];
	[sflag:s23] =	ssyncadd.s32 $0xFFFFFFFF  }
0xa5: {  	s26 =	simm.s32 $execute0_lowered;
	[smem:$0x3FD2] =	sst s25  }
0xa6: {  	s5 =	sshll.u32 s26, $0x1;
	_ =	strace $0x80000046;
	[dreg:$0x1] =	wrdreg $0xFFFFFFFF  }
0xa7: {  	s28 =	simm.s32 $_size_execute0_lowered;
	s3 =	sadd.s32 s3, s5;
	[dreg:$0x0] =	wrdreg $0x0  }
0xa8: {  	s5 =	sshll.u32 s28, $0x1;
	[dreg:$0x2] =	wrdreg s3  }
0xa9: {  	[dreg:$0x3] =	wrdreg s5  }
0xaa: {  	[dreg:$0x4] =	wrdreg $0xC0  }
0xab: {  	_ =	task [dreg:s7], $0x5FFFF  }
0xac: {  	[dreg:$0x1] =	wrdreg $0xFFFFFFFF  }
0xad: {  	[dreg:$0x0] =	wrdreg $0x60  }
0xae: {  	[dreg:$0x2] =	wrdreg s2  }
0xaf: {  	[dreg:$0x3] =	wrdreg s24  }
0xb0: {  	[dreg:$0x4] =	wrdreg $0x9  }
0xb1: {  	_ =	task.clear_ibuf [dreg:s7], $0x5FFFF;
	_ =	strace $0x90000046  }
0xb2: {  	s29 =	simm.s32 $0x9;
	_ =	strace $0x80000048  }
0xb3: {  	_ =	swait.ge [sflag:s29], $0x1  }
0xb4: {  	[sflag:s29] =	ssyncadd.s32 $0xFFFFFFFF  }
0xb5: {  	_ =	strace $0x90000048  }
0xb6: {  	_ =	sfence  }
0xb7: {  	s30 =	sld [smem:$0x0];
	_ =	sdelay $0x2  }
0xb8: {  	s31 =	sshll.u32 s1, $0xD;
	s1 =	sshrl.u32 s1, $0x2  }
0xb9: {  	s3 =	sand.u32 $0x4000, s31;
	s1 =	sadd.s32 s1, s30  }
0xba: {  	s0 =	sor.u32 s3, s0;
	s1 =	sshll.u32 s1, $0x11  }
0xbb: {  	s0 =	sor.u32 s1, s0  }
0xbc: {  	s0 =	sadd.s32 $0x8F2B, s0  }
0xbd: {  	[sflag:s0] =	ssyncadd.remote.s32 $0x1  }
0xbe: {  	_ =	sfence.sel $0xFFFF  }
0xbf: {  	[dreg:$0x0] =	wrdreg $0xFFFFFFFF;
	(pc) =	sbr.abs _section_cstart, $3  }
0xc0: {  	[dreg:$0x1] =	wrdreg $0xFFFFFFFF  }
0xc1: {  	_ =	task.clear_ibuf [dreg:s7], $0x2FFFF;
	_ =	strace $0x9FFFFFFF  }
0xc2: {  	(tm) =	ssettm $0x7FFFFFFF  }
0xc3: {  	_ =	shalt  }
tec
execute0_lowered:
.L_overlay_start_1:
0x0: {  	(tag) =	ssettag $0x1  }
0x1: {  	s1 =	srdreg.scid;
	s0 =	stileid.u32  }
0x2: {  	s6 =	sand.u32 $0x1, s1;
	s30 =	sshll.u32 s0, $0x1  }
0x3: {  	s2 =	rddreg [dreg:$0x0];
	s7 =	sor.u32 s6, s30  }
0x4: {  	s8 =	rddreg [dreg:$0x1];
	p1 =	seq.s32 s6, $0x1;
	p0 =	seq.s32 s7, $0x0  }
0x5: {  	s3 =	simm.s32 $0x0;
	s4 =	simm.s32 $0x1;
	p0 =	por !p0, !p1  }
0x6: {  	s13 =	simm.s32 $0x0;
	[smem:$0x7FF] =	sst s3;
	p0 =	por !p0, !p0  }
0x7: {  	s1 =	rddreg [dreg:$0x2];
	_ =	strace $0x80000047;
	s4 =	simm.s32 @!p0 $0x0  }
0x8: {  	s5 =	sshll.u32 s6, $0xA;
	s6 =	ssub.s32 $0x2, s6;
	s11 =	ssub.s32 s0, s4  }
0x9: {  	s7 =	sshll.u32 s7, $0x4;
	s31 =	sshrl.u32 s6, $0x1;
	s9 =	sshll.u32 s11, $0xB  }
0xa: {  	v0 =	vlaneseq.u32;
	s10 =	sadd.s32 s7, s8;
	s12 =	ssub.s32 s6, s31;
	s9 =	sor.u32 s5, s9  }
0xb: {  	v2 =	vmul.u32 $0xFFFFFFFF, v0;
	s6 =	simm.s32 $0x1;
	s4 =	sadd.s32 $0x2000, s8;
	s9 =	sshrl.u32 s9, $0x3  }
0xc: {  	v1 =	vmov s11;
	s11 =	simm.s32 $0x80;
	s7 =	sadd.s32 s8, s9;
	s9 =	sadd.s32 $0x2200, s10  }
0xd: {  	v2 =	vadd.s32 $0xFFFFFFFF, v2;
	s10 =	smax.u32 s12, $0x1;
	s12 =	simm.s32 $0x1280;
	s8 =	sadd.s32 $0x1000, s7  }
.LBB2_1:
0xe: {  	[tilespmem:s3], [sflag:$0x1] =	stream.linear.gather [hbm4b:s2+s3], $0x80, $0x38;
	[tilespmem:$0x1300] =	vst v63  }
0xf: {  	_ =	swait.ge [sflag:s6], $0x80  }
0x10: {  	[sflag:s6] =	ssyncset.done $0x0  }
0x11: {  	[sflag:s6] =	ssyncadd.s32 $0xFFFFFF80  }
0x12: {  	[tilespmem:s11], [sflag:$0x1] =	stream.linear.gather [hbm4b:s4+s3], $0xA00, $0x38;
	[tilespmem:$0x1300] =	vst v63  }
0x13: {  	_ =	swait.ge [sflag:s6], $0xA00  }
0x14: {  	[sflag:s6] =	ssyncset.done $0x0  }
0x15: {  	s14 =	simm.s32 $0xA80;
	[sflag:s6] =	ssyncadd.s32 $0xFFFFF600  }
0x16: {  	[tilespmem:s14], [sflag:$0x1] =	stream.linear.gather [hbm4b:s8+s3], $0x400, $0x38;
	[tilespmem:$0x1300] =	vst v63  }
0x17: {  	_ =	swait.ge [sflag:s6], $0x400  }
0x18: {  	[sflag:s6] =	ssyncset.done $0x0  }
0x19: {  	s15 =	simm.s32 $0xE80;
	[sflag:s6] =	ssyncadd.s32 $0xFFFFFC00  }
0x1a: {  	[tilespmem:s15], [sflag:$0x1] =	stream.linear.gather [hbm4b:s7+s3], $0x400, $0x38;
	[tilespmem:$0x1300] =	vst v63  }
0x1b: {  	_ =	swait.ge [sflag:s6], $0x400  }
0x1c: {  	[sflag:s6] =	ssyncset.done $0x0  }
0x1d: {  	[sflag:s6] =	ssyncadd.s32 $0xFFFFFC00  }
0x1e: {  	v3 =	vld [tilespmem:s14+$0x0];
	_ =	sdelay $0x1  }
0x1f: {  	v4 =	vld [tilespmem:s15+$0x0];
	_ =	sdelay $0x1  }
0x20: {  	s29 =	simm.s32 $0xA90  }
0x21: {  	v8 =	vld [tilespmem:s29+$0x0];
	v5 =	vmul.u32 $0x32, v3  }
0x22: {  	s30 =	simm.s32 $0xE90;
	v6 =	vadd.s32 $0x992, v3  }
0x23: {  	v9 =	vld [tilespmem:s30+$0x0];
	v5 =	vadd.s32 v4, v5;
	_ =	sdelay $0x1  }
0x24: {  	s31 =	simm.s32 $0xAA0;
	v3 =	vld.idx.msk [tilespmem:v1+s3+$0x0], $0xffff  }
0x25: {  	v10 =	vld [tilespmem:s31+$0x0];
	v11 =	vmul.u32 $0x32, v8  }
0x26: {  	v8 =	vadd.s32 $0x992, v8;
	v6 =	vld.idx.msk [tilespmem:v6+s11+$0x0], $0xffff  }
0x27: {  	s16 =	simm.s32 $0xEA0;
	v9 =	vadd.s32 v9, v11;
	v7 =	vld.idx.msk [tilespmem:v5+s11+$0x0], $0xffff  }
0x28: {  	s17 =	simm.s32 $0x30;
	s18 =	simm.s32 $0xAB0;
	v11 =	vld [tilespmem:s16+$0x0]  }
0x29: {  	s19 =	sor.u32 s5, s3;
	s15 =	simm.s32 $0x10;
	s14 =	simm.s32 $0x20;
	v4 =	vadd.s32 v2, v3;
	v5 =	vimm.f32 $0.0e+00  }
.LBB2_2:
0x2a: {  	v12 =	vld [tilespmem:s18+$0x0];
	v16 =	vmov s19;
	v14 =	vor.u32 s19, v0;
	s20 =	smov.u32 s14;
	s14 =	smov.u32 s17;
	p0 =	sne.s32 s17, $0x3F0  }
.Ltmp0:
0x2b: {  	v15 =	vmul.u32 $0x32, v10;
	v13 =	vmovc v6;
	vm0 =	vlt.s32 v14, v3;
	vm1 =	veq.s32 v16, v4;
	v6 =	vld.idx.msk [tilespmem:v8+s11+$0x0], $0xffff;
	(pc) =	sbr.rel @p0 .LBB2_2-.Ltmp0, $4  }
0x2c: {  	s17 =	sadd.s32 $0x10, s17;
	v8 =	vadd.s32 $0x992, v10;
	v10 =	vnsel vm0, $0x0, v7;
	v7 =	vld.idx.msk [tilespmem:v9+s11+$0x0], $0xffff;
	v13 =	vnsel vm1, $0x0, v13  }
0x2d: {  	s16 =	sadd.s32 $0x10, s16;
	v9 =	vadd.s32 v11, v15;
	v13 =	vadd.f32 v13, v10  }
0x2e: {  	v11 =	vld [tilespmem:s16+$0x0]  }
0x2f: {  	s18 =	sadd.s32 $0x10, s18;
	s19 =	sor.u32 s5, s15;
	s15 =	smov.u32 s20;
	v5 =	vadd.f32 v13, v5;
	v10 =	vmov v12  }
0x30: {  	_ = 	snop  }
0x31: {  	v12 =	vmul.u32 $0x32, v10  }
0x32: {  	v56 =	vadd.s32 $0x992, v10  }
0x33: {  	v11 =	vadd.s32 v11, v12;
	_ =	sdelay $0x1  }
0x34: {  	v9 =	vld.idx.msk [tilespmem:v9+s11+$0x0], $0xffff  }
0x35: {  	v57 =	vmov s19;
	v13 =	vor.u32 s19, v0;
	v8 =	vld.idx.msk [tilespmem:v8+s11+$0x0], $0xffff  }
0x36: {  	s15 =	sor.u32 s5, s15;
	s14 =	sor.u32 s5, s14;
	vm0 =	vlt.s32 v13, v3;
	vm1 =	veq.s32 v57, v4;
	v10 =	vld.idx.msk [tilespmem:v56+s11+$0x0], $0xffff  }
0x37: {  	v58 =	vor.u32 s15, v0;
	v59 =	vmov s15;
	v62 =	vmov s14;
	v11 =	vld.idx.msk [tilespmem:v11+s11+$0x0], $0xffff  }
0x38: {  	v63 =	vor.u32 s14, v0;
	v7 =	vnsel vm0, $0x0, v7;
	v6 =	vnsel vm1, $0x0, v6  }
0x39: {  	vm12 =	vlt.s32 v58, v3;
	vm13 =	veq.s32 v59, v4;
	v6 =	vadd.f32 v6, v7  }
0x3a: {  	vm14 =	vlt.s32 v63, v3;
	v60 =	vnsel vm12, $0x0, v9;
	v61 =	vnsel vm13, $0x0, v8  }
0x3b: {  	vm15 =	veq.s32 v62, v4;
	v5 =	vadd.f32 v6, v5;
	v6 =	vadd.f32 v61, v60  }
0x3c: {  	v4 =	vnsel vm15, $0x0, v10;
	v3 =	vnsel vm14, $0x0, v11  }
0x3d: {  	v5 =	vadd.f32 v6, v5;
	v3 =	vadd.f32 v4, v3;
	_ =	sdelay $0x1  }
0x3e: {  	s13 =	sadd.s32 $0x1, s13;
	v3 =	vadd.f32 v3, v5  }
0x3f: {  	p0 =	sne.s32 s13, s10  }
.Ltmp1:
0x40: {  	[tilespmem:$0x1280] =	vst v3;
	(pc) =	sbr.rel @p0 .LBB2_1-.Ltmp1, $4  }
0x41: {  	[hbm4b:s9+s3] =	stream.linear.scatter [tilespmem:s12], [sflag:$0x1], $0x80, $0x38;
	[tilespmem:$0x1300] =	vst v63  }
0x42: {  	_ =	swait.ge [sflag:s6], $0x80  }
0x43: {  	[sflag:s6] =	ssyncset.done $0x0  }
0x44: {  	[sflag:s6] =	ssyncadd.s32 $0xFFFFFF80  }
0x45: {  	_ =	sfence.sel $0x180000  }
0x46: {  	[bflag:$0x0] =	sbarrier.arrive $0xFFFF  }
0x47: {  	p0 =	sne.s32 s0, $0x0;
	_ =	strace $0x90000047  }
0x48: {  	s0 =	sadd.s32 @!p0 $0x100000, s1;
	[bflag:$0x2] =	sbarrier.arrive $0xFFFF  }
0x49: {  	[sflag:s0] =	ssyncadd.tile.s32 @!p0 $0x1;
	_ =	shalt  }
.Lfunc_end2:
_tile_overlayer_lowered:
.L_overlay_start_2:
0x4a: {  	(tag) =	ssettag $0x2  }
0x4b: {  	s0 =	rddreg [dreg:$0x0];
	s2 =	stileid.u32  }
0x4c: {  	s1 =	rddreg [dreg:$0x1];
	p0 =	sne.s32 s2, $0x0  }
0x4d: {  	s3 =	rddreg [dreg:$0x2];
	[bflag:$0x3] =	sbarrier.arrive $0xFFFF;
	s2 =	simm.s32 @!p0 $0x1C01  }
0x4e: {  	[timem:s3], [sflag:s2] =	dma.local @!p0 [hbm:s0], s1  }
0x4f: {  	s0 =	simm.s32 @!p0 $0x1  }
0x50: {  	_ =	swait.ge @!p0 [sflag:s0], s1  }
0x51: {  	s1 =	ssub.s32 @!p0 $0x0, s1;
	[sflag:s0] =	ssyncset.done @!p0 $0x0  }
0x52: {  	[sflag:s0] =	ssyncadd.s32 @!p0 s1  }
0x53: {  	[bflag:$0x3] =	sbarrier.arrive $0xFFFF  }
0x54: {  	_ =	shalt  }

</sc_bundles>
